<compile_context>
chip_gen: v7x
topology: tpu7x:2x2x1
jax: 0.10.2.dev20260603
libtpu: 0.0.44.dev20260713+nightly
codegen_flags: <defaults>
</compile_context>

<pallas_src>
import jax
import jax.numpy as jnp
from jax.experimental import pallas as pl
from jax.experimental.pallas import tpu as pltpu

_CLASSES = 80
_IOU_THRESH = 0.5
_MAX_DET = 100
_PRE_NMS_TOPK = 256


def _make_decode_body(level_shapes, img_h):
    sizes = [h * w for (h, w) in level_shapes]
    b0 = sizes[0]
    b1 = sizes[0] + sizes[1]
    ntot = sum(sizes)
    w0, w1, w2 = level_shapes[0][1], level_shapes[1][1], level_shapes[2][1]
    s0 = img_h / float(level_shapes[0][0])
    s1 = img_h / float(level_shapes[1][0])
    s2 = img_h / float(level_shapes[2][0])

    def body(pred_ref, scores_ref, boxes_ref, rowmax_ref):
        p = pred_ref[0]
        a = jax.lax.broadcasted_iota(jnp.int32, (ntot, 1), 0)
        lvl1 = a >= b0
        lvl2 = a >= b1
        gx = jnp.where(lvl2, (a - b1) % w2,
                       jnp.where(lvl1, (a - b0) % w1, a % w0))
        gy = jnp.where(lvl2, (a - b1) // w2,
                       jnp.where(lvl1, (a - b0) // w1, a // w0))
        s = jnp.where(lvl2, jnp.float32(s2),
                      jnp.where(lvl1, jnp.float32(s1), jnp.float32(s0)))
        x1 = (p[:, 0:1] + gx.astype(jnp.float32)) * s
        y1 = (p[:, 1:2] + gy.astype(jnp.float32)) * s
        w = jnp.exp(p[:, 2:3]) * s
        h = jnp.exp(p[:, 3:4]) * s
        boxes_ref[0] = jnp.concatenate([x1, y1, x1 + w, y1 + h], axis=1)
        conf = jax.nn.sigmoid(p[:, 4:5])
        probs = jax.nn.sigmoid(p[:, 5:5 + _CLASSES])
        sc = conf * probs
        scores_ref[0] = sc
        rowmax_ref[0] = jnp.max(sc, axis=1, keepdims=True)

    return body


def _nms_body(boxes_ref, cls_ref, sc_ref, rows_ref, masked_ref, supp_ref):
    k = _PRE_NMS_TOPK
    b = boxes_ref[0]
    cls_r = cls_ref[0]
    sc_r = sc_ref[0]
    x1c, y1c, x2c, y2c = b[:, 0:1], b[:, 1:2], b[:, 2:3], b[:, 3:4]
    x1r = jnp.transpose(x1c)
    y1r = jnp.transpose(y1c)
    x2r = jnp.transpose(x2c)
    y2r = jnp.transpose(y2c)
    area_c = jnp.maximum(x2c - x1c, 0.0) * jnp.maximum(y2c - y1c, 0.0)
    area_r = jnp.transpose(area_c)
    xx1 = jnp.maximum(x1c, x1r)
    yy1 = jnp.maximum(y1c, y1r)
    xx2 = jnp.minimum(x2c, x2r)
    yy2 = jnp.minimum(y2c, y2r)
    inter = jnp.maximum(xx2 - xx1, 0.0) * jnp.maximum(yy2 - yy1, 0.0)
    union = area_c + area_r - inter
    iou = inter / jnp.maximum(union, 1e-8)
    same = jnp.transpose(cls_r) == cls_r
    li = jax.lax.broadcasted_iota(jnp.int32, (k, k), 0)
    lj = jax.lax.broadcasted_iota(jnp.int32, (k, k), 1)
    supp_ref[:, :] = jnp.where(same & (li < lj) & (iou > _IOU_THRESH),
                               jnp.float32(1.0), jnp.float32(0.0))
    lane = jax.lax.broadcasted_iota(jnp.int32, (1, k), 1)

    def body(i, keep):
        row = supp_ref[pl.ds(i, 1), :]
        ki = jnp.max(jnp.where(lane == i, keep, 0.0))
        return keep * (1.0 - ki * row)

    keep = jax.lax.fori_loop(0, k, body, jnp.ones((1, k), jnp.float32))
    masked_ref[0] = sc_r * keep
    rows = jnp.concatenate(
        [b, jnp.transpose(cls_r), jnp.transpose(sc_r)], axis=1)
    rows_ref[0] = rows * jnp.transpose(keep)


def kernel(images, predictions_0, predictions_1, predictions_2):
    preds = [predictions_0, predictions_1, predictions_2]
    batch = preds[0].shape[0]
    ch = 5 + _CLASSES
    level_shapes = [(p.shape[1], p.shape[2]) for p in preds]
    ntot = sum(h * w for (h, w) in level_shapes)
    img_h = float(images.shape[1])
    k = _PRE_NMS_TOPK

    flat = jnp.concatenate([p.reshape(batch, -1, ch) for p in preds], axis=1)

    f32 = jnp.float32
    scores, boxes, rowmax = pl.pallas_call(
        _make_decode_body(level_shapes, img_h),
        grid=(batch,),
        in_specs=[pl.BlockSpec((1, ntot, ch), lambda i: (i, 0, 0))],
        out_specs=[
            pl.BlockSpec((1, ntot, _CLASSES), lambda i: (i, 0, 0)),
            pl.BlockSpec((1, ntot, 4), lambda i: (i, 0, 0)),
            pl.BlockSpec((1, ntot, 1), lambda i: (i, 0, 0)),
        ],
        out_shape=[
            jax.ShapeDtypeStruct((batch, ntot, _CLASSES), f32),
            jax.ShapeDtypeStruct((batch, ntot, 4), f32),
            jax.ShapeDtypeStruct((batch, ntot, 1), f32),
        ],
    )(flat)

    _, aidx = jax.lax.top_k(rowmax[:, :, 0], k)
    sel_rows = jnp.take_along_axis(scores, aidx[..., None], axis=1)
    top_s, j = jax.lax.top_k(sel_rows.reshape(batch, k * _CLASSES), k)
    anchor = jnp.take_along_axis(aidx, j // _CLASSES, axis=1)
    cls = (j % _CLASSES).astype(f32)
    cand_boxes = jnp.take_along_axis(boxes, anchor[..., None], axis=1)

    rows6, masked = pl.pallas_call(
        _nms_body,
        grid=(batch,),
        in_specs=[
            pl.BlockSpec((1, k, 4), lambda i: (i, 0, 0)),
            pl.BlockSpec((1, 1, k), lambda i: (i, 0, 0)),
            pl.BlockSpec((1, 1, k), lambda i: (i, 0, 0)),
        ],
        out_specs=[
            pl.BlockSpec((1, k, 6), lambda i: (i, 0, 0)),
            pl.BlockSpec((1, 1, k), lambda i: (i, 0, 0)),
        ],
        out_shape=[
            jax.ShapeDtypeStruct((batch, k, 6), f32),
            jax.ShapeDtypeStruct((batch, 1, k), f32),
        ],
        scratch_shapes=[pltpu.VMEM((k, k), f32)],
    )(cand_boxes, cls[:, None, :], top_s[:, None, :])

    _, i2 = jax.lax.top_k(masked[:, 0, :], _MAX_DET)
    return jnp.take_along_axis(rows6, i2[..., None], axis=1)

# --- scband reference (transcript-rebuilt; emitter-appended) ---
"""Pipeline reference for scband-decode-predictions-12197707120949 (READ-ONLY COPY).

The authoritative reference and input builder live on the scoring server;
editing this copy changes nothing except your own understanding.
"""

import jax, jax.numpy as jnp
import numpy as np

CLASSES = 80
IOU_THRESH = 0.5
MAX_DET = 100
PRE_NMS_TOPK = 256


def setup_inputs(seed: int = 0) -> dict:
    key = jax.random.key(seed)
    k1, k2, k3, k4 = jax.random.split(key, 4)
    images = jax.random.uniform(k1, (16, 512, 512, 3), dtype=jnp.float32)
    p0 = jax.random.normal(k2, (16, 64, 64, 5 + CLASSES), dtype=jnp.float32)
    p1 = jax.random.normal(k3, (16, 32, 32, 5 + CLASSES), dtype=jnp.float32)
    p2 = jax.random.normal(k4, (16, 16, 16, 5 + CLASSES), dtype=jnp.float32)
    return {"images": images, "predictions_0": p0, "predictions_1": p1, "predictions_2": p2}


def _decode(images, preds):
    B = preds[0].shape[0]
    img_h = float(images.shape[1])
    img_w = float(images.shape[2])
    image_shape = jnp.array([img_h, img_w], jnp.float32)
    shapes = [(p.shape[1], p.shape[2]) for p in preds]
    flat = [p.reshape(B, -1, 5 + CLASSES) for p in preds]
    predictions = jnp.concatenate(flat, axis=1)
    grids = []
    strides = []
    for (shape_x, shape_y) in shapes:
        grid_x, grid_y = jnp.meshgrid(jnp.arange(shape_y), jnp.arange(shape_x))
        grid = jnp.reshape(jnp.stack((grid_x, grid_y), 2), (1, -1, 2)).astype(jnp.float32)
        grids.append(grid)
        strides.append(jnp.ones((1, grid.shape[1], 1), jnp.float32) * img_h / float(shape_x))
    grids = jnp.concatenate(grids, axis=1)
    strides_c = jnp.concatenate(strides, axis=1)
    N = predictions.shape[1]
    box_xy = ((predictions[..., :2] + grids) * strides_c / image_shape)[:, :, None, :]
    box_xy = jnp.broadcast_to(box_xy, (B, N, CLASSES, 2))
    box_wh = (jnp.exp(predictions[..., 2:4]) * strides_c / image_shape)[:, :, None, :]
    box_wh = jnp.broadcast_to(box_wh, (B, N, CLASSES, 2))
    box_confidence = jax.nn.sigmoid(predictions[..., 4:5])
    box_class_probs = jax.nn.sigmoid(predictions[..., 5:])
    box_classes = jnp.broadcast_to(jnp.arange(CLASSES, dtype=jnp.float32)[:, None], (B, N, CLASSES, 1))
    box_scores = (box_confidence * box_class_probs)[..., None]
    outputs = jnp.concatenate([box_xy, box_wh, box_classes, box_scores], axis=-1)
    outputs = outputs.reshape(B, -1, 6)
    # convert rel_xywh -> xyxy
    x = outputs[..., 0] * img_w
    y = outputs[..., 1] * img_h
    w = outputs[..., 2] * img_w
    h = outputs[..., 3] * img_h
    boxes = jnp.stack([x, y, x + w, y + h], axis=-1)
    return jnp.concatenate([boxes, outputs[..., 4:]], axis=-1)


def _iou(boxes):
    x1, y1, x2, y2 = boxes[:, 0], boxes[:, 1], boxes[:, 2], boxes[:, 3]
    area = jnp.maximum(x2 - x1, 0.0) * jnp.maximum(y2 - y1, 0.0)
    xx1 = jnp.maximum(x1[:, None], x1[None, :])
    yy1 = jnp.maximum(y1[:, None], y1[None, :])
    xx2 = jnp.minimum(x2[:, None], x2[None, :])
    yy2 = jnp.minimum(y2[:, None], y2[None, :])
    inter = jnp.maximum(xx2 - xx1, 0.0) * jnp.maximum(yy2 - yy1, 0.0)
    union = area[:, None] + area[None, :] - inter
    return inter / jnp.maximum(union, 1e-8)


def _nms_single(rows):
    # rows: [N*CLASSES, 6] = (x1, y1, x2, y2, class, score)
    scores_all = rows[:, 5]
    _, idx = jax.lax.top_k(scores_all, PRE_NMS_TOPK)
    cand = rows[idx]
    boxes = cand[:, :4]
    cls = cand[:, 4]
    scores = cand[:, 5]
    iou = _iou(boxes)
    same = cls[:, None] == cls[None, :]
    later = jnp.triu(jnp.ones((PRE_NMS_TOPK, PRE_NMS_TOPK), bool), k=1)
    supp_mat = same & later & (iou > IOU_THRESH)
    keep = jnp.ones((PRE_NMS_TOPK,), bool)
    for i in range(PRE_NMS_TOPK):
        keep = keep & ~(keep[i] & supp_mat[i])
    masked = scores * keep.astype(scores.dtype)
    _, i2 = jax.lax.top_k(masked, MAX_DET)
    sel = cand[i2] * keep[i2].astype(cand.dtype)[:, None]
    return sel  # [MAX_DET, 6]


def reference(images, predictions_0, predictions_1, predictions_2):
    rows = _decode(images, [predictions_0, predictions_1, predictions_2])
    return jax.vmap(_nms_single)(rows)

if __name__ == "__main__":
    import jax
    _d = setup_inputs()
    print(jax.jit(kernel)(*tuple(_d.values())))

</pallas_src>

<mosaic_0001>
module attributes {stable_mosaic.version = 14 : i64} {
  func.func @body(%arg0: i32, %arg1: memref<1x5376x85xf32, #tpu.memory_space<vmem>>, %arg2: memref<1x5376x80xf32, #tpu.memory_space<vmem>>, %arg3: memref<1x5376x4xf32, #tpu.memory_space<vmem>>, %arg4: memref<1x5376x1xf32, #tpu.memory_space<vmem>>) attributes {dimension_semantics = [#tpu.dimension_semantics<arbitrary>], iteration_bounds = array<i64: 16>, scalar_prefetch = 0 : i64, scratch_operands = 0 : i64, tpu.core_type = #tpu.core_type<tc>, window_params = [{transform_indices = @transform_0, window_bounds = array<i64: 1, 5376, 85>}, {transform_indices = @transform_1, window_bounds = array<i64: 1, 5376, 80>}, {transform_indices = @transform_2, window_bounds = array<i64: 1, 5376, 4>}, {transform_indices = @transform_3, window_bounds = array<i64: 1, 5376, 1>}]} {
    %get3A = arith.constant 0 : index
    %get3A_0 = arith.constant 0 : index
    %get3A_1 = arith.constant 0 : index
    %get3A_2 = vector.load %arg1[%get3A, %get3A_0, %get3A_1] : memref<1x5376x85xf32, #tpu.memory_space<vmem>>, vector<1x5376x85xf32>
    %get3A_3 = vector.shape_cast %get3A_2 : vector<1x5376x85xf32> to vector<5376x85xf32>
    %iota3A = tpu.iota {dimensions = array<i32: 0>} : vector<5376x1xi32>
    %ge3A = arith.constant 4096 : i32
    %ge3A_4 = vector.broadcast %ge3A : i32 to vector<5376x1xi32>
    %ge3A_5 = arith.cmpi sge, %iota3A, %ge3A_4 : vector<5376x1xi32>
    %ge3A_6 = arith.constant 5120 : i32
    %ge3A_7 = vector.broadcast %ge3A_6 : i32 to vector<5376x1xi32>
    %ge3A_8 = arith.cmpi sge, %iota3A, %ge3A_7 : vector<5376x1xi32>
    %sub3A = arith.constant 5120 : i32
    %sub3A_9 = vector.broadcast %sub3A : i32 to vector<5376x1xi32>
    %sub3A_10 = arith.subi %iota3A, %sub3A_9 : vector<5376x1xi32>
    %jit3A = arith.constant 16 : i32
    %eq3A = arith.constant 0 : i32
    %eq3A_11 = arith.cmpi eq, %jit3A, %eq3A : i32
    %jit3A_12 = arith.constant 1 : i32
    %select_n3A = arith.select %eq3A_11, %jit3A_12, %jit3A : i32
    %rem3A = vector.broadcast %select_n3A : i32 to vector<5376x1xi32>
    %rem3A_13 = arith.remsi %sub3A_10, %rem3A : vector<5376x1xi32>
    %ne3A = arith.constant 0 : i32
    %ne3A_14 = vector.broadcast %ne3A : i32 to vector<5376x1xi32>
    %ne3A_15 = arith.cmpi ne, %rem3A_13, %ne3A_14 : vector<5376x1xi32>
    %lt3A = arith.constant 0 : i32
    %lt3A_16 = vector.broadcast %lt3A : i32 to vector<5376x1xi32>
    %lt3A_17 = arith.cmpi slt, %rem3A_13, %lt3A_16 : vector<5376x1xi32>
    %lt3A_18 = arith.constant 0 : i32
    %lt3A_19 = arith.cmpi slt, %select_n3A, %lt3A_18 : i32
    %ne3A_20 = vector.broadcast %lt3A_19 : i1 to vector<5376x1xi1>
    %ne3A_21 = vector.broadcast %ne3A_20 : vector<5376x1xi1> to vector<5376x1xi1>
    %ne3A_22 = arith.xori %lt3A_17, %ne3A_21 : vector<5376x1xi1>
    %and3A = arith.andi %ne3A_22, %ne3A_15 : vector<5376x1xi1>
    %add3A = vector.broadcast %select_n3A : i32 to vector<5376x1xi32>
    %add3A_23 = arith.addi %rem3A_13, %add3A : vector<5376x1xi32>
    %select_n3A_24 = arith.select %and3A, %add3A_23, %rem3A_13 : vector<5376x1xi1>, vector<5376x1xi32>
    %sub3A_25 = arith.constant 4096 : i32
    %sub3A_26 = vector.broadcast %sub3A_25 : i32 to vector<5376x1xi32>
    %sub3A_27 = arith.subi %iota3A, %sub3A_26 : vector<5376x1xi32>
    %jit3A_28 = arith.constant 32 : i32
    %eq3A_29 = arith.constant 0 : i32
    %eq3A_30 = arith.cmpi eq, %jit3A_28, %eq3A_29 : i32
    %jit3A_31 = arith.constant 1 : i32
    %select_n3A_32 = arith.select %eq3A_30, %jit3A_31, %jit3A_28 : i32
    %rem3A_33 = vector.broadcast %select_n3A_32 : i32 to vector<5376x1xi32>
    %rem3A_34 = arith.remsi %sub3A_27, %rem3A_33 : vector<5376x1xi32>
    %ne3A_35 = arith.constant 0 : i32
    %ne3A_36 = vector.broadcast %ne3A_35 : i32 to vector<5376x1xi32>
    %ne3A_37 = arith.cmpi ne, %rem3A_34, %ne3A_36 : vector<5376x1xi32>
    %lt3A_38 = arith.constant 0 : i32
    %lt3A_39 = vector.broadcast %lt3A_38 : i32 to vector<5376x1xi32>
    %lt3A_40 = arith.cmpi slt, %rem3A_34, %lt3A_39 : vector<5376x1xi32>
    %lt3A_41 = arith.constant 0 : i32
    %lt3A_42 = arith.cmpi slt, %select_n3A_32, %lt3A_41 : i32
    %ne3A_43 = vector.broadcast %lt3A_42 : i1 to vector<5376x1xi1>
    %ne3A_44 = vector.broadcast %ne3A_43 : vector<5376x1xi1> to vector<5376x1xi1>
    %ne3A_45 = arith.xori %lt3A_40, %ne3A_44 : vector<5376x1xi1>
    %and3A_46 = arith.andi %ne3A_45, %ne3A_37 : vector<5376x1xi1>
    %add3A_47 = vector.broadcast %select_n3A_32 : i32 to vector<5376x1xi32>
    %add3A_48 = arith.addi %rem3A_34, %add3A_47 : vector<5376x1xi32>
    %select_n3A_49 = arith.select %and3A_46, %add3A_48, %rem3A_34 : vector<5376x1xi1>, vector<5376x1xi32>
    %jit3A_50 = arith.constant 64 : i32
    %eq3A_51 = arith.constant 0 : i32
    %eq3A_52 = arith.cmpi eq, %jit3A_50, %eq3A_51 : i32
    %jit3A_53 = arith.constant 1 : i32
    %select_n3A_54 = arith.select %eq3A_52, %jit3A_53, %jit3A_50 : i32
    %rem3A_55 = vector.broadcast %select_n3A_54 : i32 to vector<5376x1xi32>
    %rem3A_56 = arith.remsi %iota3A, %rem3A_55 : vector<5376x1xi32>
    %ne3A_57 = arith.constant 0 : i32
    %ne3A_58 = vector.broadcast %ne3A_57 : i32 to vector<5376x1xi32>
    %ne3A_59 = arith.cmpi ne, %rem3A_56, %ne3A_58 : vector<5376x1xi32>
    %lt3A_60 = arith.constant 0 : i32
    %lt3A_61 = vector.broadcast %lt3A_60 : i32 to vector<5376x1xi32>
    %lt3A_62 = arith.cmpi slt, %rem3A_56, %lt3A_61 : vector<5376x1xi32>
    %lt3A_63 = arith.constant 0 : i32
    %lt3A_64 = arith.cmpi slt, %select_n3A_54, %lt3A_63 : i32
    %ne3A_65 = vector.broadcast %lt3A_64 : i1 to vector<5376x1xi1>
    %ne3A_66 = vector.broadcast %ne3A_65 : vector<5376x1xi1> to vector<5376x1xi1>
    %ne3A_67 = arith.xori %lt3A_62, %ne3A_66 : vector<5376x1xi1>
    %and3A_68 = arith.andi %ne3A_67, %ne3A_59 : vector<5376x1xi1>
    %add3A_69 = vector.broadcast %select_n3A_54 : i32 to vector<5376x1xi32>
    %add3A_70 = arith.addi %rem3A_56, %add3A_69 : vector<5376x1xi32>
    %select_n3A_71 = arith.select %and3A_68, %add3A_70, %rem3A_56 : vector<5376x1xi1>, vector<5376x1xi32>
    %select_n3A_72 = arith.select %ge3A_5, %select_n3A_49, %select_n3A_71 : vector<5376x1xi1>, vector<5376x1xi32>
    %select_n3A_73 = arith.select %ge3A_8, %select_n3A_24, %select_n3A_72 : vector<5376x1xi1>, vector<5376x1xi32>
    %sub3A_74 = arith.constant 5120 : i32
    %sub3A_75 = vector.broadcast %sub3A_74 : i32 to vector<5376x1xi32>
    %sub3A_76 = arith.subi %iota3A, %sub3A_75 : vector<5376x1xi32>
    %jit3A_77 = arith.constant 16 : i32
    %div3A = vector.broadcast %jit3A_77 : i32 to vector<5376x1xi32>
    %div3A_78 = arith.divsi %sub3A_76, %div3A : vector<5376x1xi32>
    %sign3A = arith.constant 0 : i32
    %sign3A_79 = vector.broadcast %sign3A : i32 to vector<5376x1xi32>
    %sign3A_80 = arith.cmpi sgt, %sub3A_76, %sign3A_79 : vector<5376x1xi32>
    %sign3A_81 = arith.extui %sign3A_80 : vector<5376x1xi1> to vector<5376x1xi32>
    %sign3A_82 = arith.constant 0 : i32
    %sign3A_83 = vector.broadcast %sign3A_82 : i32 to vector<5376x1xi32>
    %sign3A_84 = arith.cmpi slt, %sub3A_76, %sign3A_83 : vector<5376x1xi32>
    %sign3A_85 = arith.extui %sign3A_84 : vector<5376x1xi1> to vector<5376x1xi32>
    %sign3A_86 = arith.subi %sign3A_81, %sign3A_85 : vector<5376x1xi32>
    %sign3A_87 = arith.constant 0 : i32
    %sign3A_88 = arith.cmpi sgt, %jit3A_77, %sign3A_87 : i32
    %sign3A_89 = arith.extui %sign3A_88 : i1 to i32
    %sign3A_90 = arith.constant 0 : i32
    %sign3A_91 = arith.cmpi slt, %jit3A_77, %sign3A_90 : i32
    %sign3A_92 = arith.extui %sign3A_91 : i1 to i32
    %sign3A_93 = arith.subi %sign3A_89, %sign3A_92 : i32
    %ne3A_94 = vector.broadcast %sign3A_93 : i32 to vector<5376x1xi32>
    %ne3A_95 = arith.cmpi ne, %sign3A_86, %ne3A_94 : vector<5376x1xi32>
    %rem3A_96 = vector.broadcast %jit3A_77 : i32 to vector<5376x1xi32>
    %rem3A_97 = arith.remsi %sub3A_76, %rem3A_96 : vector<5376x1xi32>
    %ne3A_98 = arith.constant 0 : i32
    %ne3A_99 = vector.broadcast %ne3A_98 : i32 to vector<5376x1xi32>
    %ne3A_100 = arith.cmpi ne, %rem3A_97, %ne3A_99 : vector<5376x1xi32>
    %and3A_101 = arith.andi %ne3A_95, %ne3A_100 : vector<5376x1xi1>
    %sub3A_102 = arith.constant 1 : i32
    %sub3A_103 = vector.broadcast %sub3A_102 : i32 to vector<5376x1xi32>
    %sub3A_104 = arith.subi %div3A_78, %sub3A_103 : vector<5376x1xi32>
    %select_n3A_105 = arith.select %and3A_101, %sub3A_104, %div3A_78 : vector<5376x1xi1>, vector<5376x1xi32>
    %sub3A_106 = arith.constant 4096 : i32
    %sub3A_107 = vector.broadcast %sub3A_106 : i32 to vector<5376x1xi32>
    %sub3A_108 = arith.subi %iota3A, %sub3A_107 : vector<5376x1xi32>
    %jit3A_109 = arith.constant 32 : i32
    %div3A_110 = vector.broadcast %jit3A_109 : i32 to vector<5376x1xi32>
    %div3A_111 = arith.divsi %sub3A_108, %div3A_110 : vector<5376x1xi32>
    %sign3A_112 = arith.constant 0 : i32
    %sign3A_113 = vector.broadcast %sign3A_112 : i32 to vector<5376x1xi32>
    %sign3A_114 = arith.cmpi sgt, %sub3A_108, %sign3A_113 : vector<5376x1xi32>
    %sign3A_115 = arith.extui %sign3A_114 : vector<5376x1xi1> to vector<5376x1xi32>
    %sign3A_116 = arith.constant 0 : i32
    %sign3A_117 = vector.broadcast %sign3A_116 : i32 to vector<5376x1xi32>
    %sign3A_118 = arith.cmpi slt, %sub3A_108, %sign3A_117 : vector<5376x1xi32>
    %sign3A_119 = arith.extui %sign3A_118 : vector<5376x1xi1> to vector<5376x1xi32>
    %sign3A_120 = arith.subi %sign3A_115, %sign3A_119 : vector<5376x1xi32>
    %sign3A_121 = arith.constant 0 : i32
    %sign3A_122 = arith.cmpi sgt, %jit3A_109, %sign3A_121 : i32
    %sign3A_123 = arith.extui %sign3A_122 : i1 to i32
    %sign3A_124 = arith.constant 0 : i32
    %sign3A_125 = arith.cmpi slt, %jit3A_109, %sign3A_124 : i32
    %sign3A_126 = arith.extui %sign3A_125 : i1 to i32
    %sign3A_127 = arith.subi %sign3A_123, %sign3A_126 : i32
    %ne3A_128 = vector.broadcast %sign3A_127 : i32 to vector<5376x1xi32>
    %ne3A_129 = arith.cmpi ne, %sign3A_120, %ne3A_128 : vector<5376x1xi32>
    %rem3A_130 = vector.broadcast %jit3A_109 : i32 to vector<5376x1xi32>
    %rem3A_131 = arith.remsi %sub3A_108, %rem3A_130 : vector<5376x1xi32>
    %ne3A_132 = arith.constant 0 : i32
    %ne3A_133 = vector.broadcast %ne3A_132 : i32 to vector<5376x1xi32>
    %ne3A_134 = arith.cmpi ne, %rem3A_131, %ne3A_133 : vector<5376x1xi32>
    %and3A_135 = arith.andi %ne3A_129, %ne3A_134 : vector<5376x1xi1>
    %sub3A_136 = arith.constant 1 : i32
    %sub3A_137 = vector.broadcast %sub3A_136 : i32 to vector<5376x1xi32>
    %sub3A_138 = arith.subi %div3A_111, %sub3A_137 : vector<5376x1xi32>
    %select_n3A_139 = arith.select %and3A_135, %sub3A_138, %div3A_111 : vector<5376x1xi1>, vector<5376x1xi32>
    %jit3A_140 = arith.constant 64 : i32
    %div3A_141 = vector.broadcast %jit3A_140 : i32 to vector<5376x1xi32>
    %div3A_142 = arith.divsi %iota3A, %div3A_141 : vector<5376x1xi32>
    %sign3A_143 = arith.constant 0 : i32
    %sign3A_144 = vector.broadcast %sign3A_143 : i32 to vector<5376x1xi32>
    %sign3A_145 = arith.cmpi sgt, %iota3A, %sign3A_144 : vector<5376x1xi32>
    %sign3A_146 = arith.extui %sign3A_145 : vector<5376x1xi1> to vector<5376x1xi32>
    %sign3A_147 = arith.constant 0 : i32
    %sign3A_148 = vector.broadcast %sign3A_147 : i32 to vector<5376x1xi32>
    %sign3A_149 = arith.cmpi slt, %iota3A, %sign3A_148 : vector<5376x1xi32>
    %sign3A_150 = arith.extui %sign3A_149 : vector<5376x1xi1> to vector<5376x1xi32>
    %sign3A_151 = arith.subi %sign3A_146, %sign3A_150 : vector<5376x1xi32>
    %sign3A_152 = arith.constant 0 : i32
    %sign3A_153 = arith.cmpi sgt, %jit3A_140, %sign3A_152 : i32
    %sign3A_154 = arith.extui %sign3A_153 : i1 to i32
    %sign3A_155 = arith.constant 0 : i32
    %sign3A_156 = arith.cmpi slt, %jit3A_140, %sign3A_155 : i32
    %sign3A_157 = arith.extui %sign3A_156 : i1 to i32
    %sign3A_158 = arith.subi %sign3A_154, %sign3A_157 : i32
    %ne3A_159 = vector.broadcast %sign3A_158 : i32 to vector<5376x1xi32>
    %ne3A_160 = arith.cmpi ne, %sign3A_151, %ne3A_159 : vector<5376x1xi32>
    %rem3A_161 = vector.broadcast %jit3A_140 : i32 to vector<5376x1xi32>
    %rem3A_162 = arith.remsi %iota3A, %rem3A_161 : vector<5376x1xi32>
    %ne3A_163 = arith.constant 0 : i32
    %ne3A_164 = vector.broadcast %ne3A_163 : i32 to vector<5376x1xi32>
    %ne3A_165 = arith.cmpi ne, %rem3A_162, %ne3A_164 : vector<5376x1xi32>
    %and3A_166 = arith.andi %ne3A_160, %ne3A_165 : vector<5376x1xi1>
    %sub3A_167 = arith.constant 1 : i32
    %sub3A_168 = vector.broadcast %sub3A_167 : i32 to vector<5376x1xi32>
    %sub3A_169 = arith.subi %div3A_142, %sub3A_168 : vector<5376x1xi32>
    %select_n3A_170 = arith.select %and3A_166, %sub3A_169, %div3A_142 : vector<5376x1xi1>, vector<5376x1xi32>
    %select_n3A_171 = arith.select %ge3A_5, %select_n3A_139, %select_n3A_170 : vector<5376x1xi1>, vector<5376x1xi32>
    %select_n3A_172 = arith.select %ge3A_8, %select_n3A_105, %select_n3A_171 : vector<5376x1xi1>, vector<5376x1xi32>
    %jit3A_173 = arith.constant 1.600000e+01 : f32
    %jit3A_174 = arith.constant 8.000000e+00 : f32
    %broadcast_in_dim3A = vector.broadcast %jit3A_173 : f32 to vector<5376x1xf32>
    %broadcast_in_dim3A_175 = vector.broadcast %jit3A_174 : f32 to vector<5376x1xf32>
    %select_n3A_176 = arith.select %ge3A_5, %broadcast_in_dim3A, %broadcast_in_dim3A_175 : vector<5376x1xi1>, vector<5376x1xf32>
    %jit3A_177 = arith.constant 3.200000e+01 : f32
    %broadcast_in_dim3A_178 = vector.broadcast %jit3A_177 : f32 to vector<5376x1xf32>
    %select_n3A_179 = arith.select %ge3A_8, %broadcast_in_dim3A_178, %select_n3A_176 : vector<5376x1xi1>, vector<5376x1xf32>
    %slice3A = vector.extract_strided_slice %get3A_3 {offsets = [0, 0], sizes = [5376, 1], strides = [1, 1]} : vector<5376x85xf32> to vector<5376x1xf32>
    %convert_element_type3A = arith.sitofp %select_n3A_73 : vector<5376x1xi32> to vector<5376x1xf32>
    %add3A_180 = arith.addf %slice3A, %convert_element_type3A : vector<5376x1xf32>
    %mul3A = arith.mulf %add3A_180, %select_n3A_179 : vector<5376x1xf32>
    %slice3A_181 = vector.extract_strided_slice %get3A_3 {offsets = [0, 1], sizes = [5376, 1], strides = [1, 1]} : vector<5376x85xf32> to vector<5376x1xf32>
    %convert_element_type3A_182 = arith.sitofp %select_n3A_172 : vector<5376x1xi32> to vector<5376x1xf32>
    %add3A_183 = arith.addf %slice3A_181, %convert_element_type3A_182 : vector<5376x1xf32>
    %mul3A_184 = arith.mulf %add3A_183, %select_n3A_179 : vector<5376x1xf32>
    %slice3A_185 = vector.extract_strided_slice %get3A_3 {offsets = [0, 2], sizes = [5376, 1], strides = [1, 1]} : vector<5376x85xf32> to vector<5376x1xf32>
    %exp3A = math.exp %slice3A_185 : vector<5376x1xf32>
    %mul3A_186 = arith.mulf %exp3A, %select_n3A_179 : vector<5376x1xf32>
    %slice3A_187 = vector.extract_strided_slice %get3A_3 {offsets = [0, 3], sizes = [5376, 1], strides = [1, 1]} : vector<5376x85xf32> to vector<5376x1xf32>
    %exp3A_188 = math.exp %slice3A_187 : vector<5376x1xf32>
    %mul3A_189 = arith.mulf %exp3A_188, %select_n3A_179 : vector<5376x1xf32>
    %add3A_190 = arith.addf %mul3A, %mul3A_186 : vector<5376x1xf32>
    %add3A_191 = arith.addf %mul3A_184, %mul3A_189 : vector<5376x1xf32>
    %concatenate3A = tpu.concatenate %mul3A, %mul3A_184, %add3A_190, %add3A_191 in 1 : vector<5376x1xf32>, vector<5376x1xf32>, vector<5376x1xf32>, vector<5376x1xf32> -> vector<5376x4xf32>
    %swap3A = arith.constant 0 : index
    %swap3A_192 = arith.constant 0 : index
    %swap3A_193 = arith.constant 0 : index
    %swap3A_194 = vector.load %arg3[%swap3A, %swap3A_192, %swap3A_193] : memref<1x5376x4xf32, #tpu.memory_space<vmem>>, vector<1x5376x4xf32>
    %swap3A_195 = vector.shape_cast %swap3A_194 : vector<1x5376x4xf32> to vector<5376x4xf32>
    %swap3A_196 = vector.shape_cast %concatenate3A : vector<5376x4xf32> to vector<1x5376x4xf32>
    tpu.vector_store %arg3[%swap3A, %swap3A_192, %swap3A_193], %swap3A_196 {strides = array<i32>} : memref<1x5376x4xf32, #tpu.memory_space<vmem>>, vector<1x5376x4xf32>,
    %slice3A_197 = vector.extract_strided_slice %get3A_3 {offsets = [0, 4], sizes = [5376, 1], strides = [1, 1]} : vector<5376x85xf32> to vector<5376x1xf32>
    %logistic3A = arith.negf %slice3A_197 : vector<5376x1xf32>
    %logistic3A_198 = math.exp %logistic3A : vector<5376x1xf32>
    %logistic3A_199 = arith.constant 1.000000e+00 : f32
    %logistic3A_200 = vector.broadcast %logistic3A_199 : f32 to vector<5376x1xf32>
    %logistic3A_201 = arith.addf %logistic3A_200, %logistic3A_198 : vector<5376x1xf32>
    %logistic3A_202 = arith.divf %logistic3A_200, %logistic3A_201 : vector<5376x1xf32>
    %slice3A_203 = vector.extract_strided_slice %get3A_3 {offsets = [0, 5], sizes = [5376, 80], strides = [1, 1]} : vector<5376x85xf32> to vector<5376x80xf32>
    %logistic3A_204 = arith.negf %slice3A_203 : vector<5376x80xf32>
    %logistic3A_205 = math.exp %logistic3A_204 : vector<5376x80xf32>
    %logistic3A_206 = arith.constant 1.000000e+00 : f32
    %logistic3A_207 = vector.broadcast %logistic3A_206 : f32 to vector<5376x80xf32>
    %logistic3A_208 = arith.addf %logistic3A_207, %logistic3A_205 : vector<5376x80xf32>
    %logistic3A_209 = arith.divf %logistic3A_207, %logistic3A_208 : vector<5376x80xf32>
    %mul3A_210 = vector.broadcast %logistic3A_202 : vector<5376x1xf32> to vector<5376x80xf32>
    %mul3A_211 = arith.mulf %mul3A_210, %logistic3A_209 : vector<5376x80xf32>
    %swap3A_212 = arith.constant 0 : index
    %swap3A_213 = arith.constant 0 : index
    %swap3A_214 = arith.constant 0 : index
    %swap3A_215 = vector.load %arg2[%swap3A_212, %swap3A_213, %swap3A_214] : memref<1x5376x80xf32, #tpu.memory_space<vmem>>, vector<1x5376x80xf32>
    %swap3A_216 = vector.shape_cast %swap3A_215 : vector<1x5376x80xf32> to vector<5376x80xf32>
    %swap3A_217 = vector.shape_cast %mul3A_211 : vector<5376x80xf32> to vector<1x5376x80xf32>
    tpu.vector_store %arg2[%swap3A_212, %swap3A_213, %swap3A_214], %swap3A_217 {strides = array<i32>} : memref<1x5376x80xf32, #tpu.memory_space<vmem>>, vector<1x5376x80xf32>,
    %reduce_max3A = arith.constant dense<0xFF800000> : vector<5376xf32>
    %reduce_max3A_218 = vector.multi_reduction <maximumf>, %mul3A_211, %reduce_max3A [1] : vector<5376x80xf32> to vector<5376xf32>
    %broadcast_in_dim3A_219 = vector.shape_cast %reduce_max3A_218 : vector<5376xf32> to vector<5376x1xf32>
    %swap3A_220 = arith.constant 0 : index
    %swap3A_221 = arith.constant 0 : index
    %swap3A_222 = arith.constant 0 : index
    %swap3A_223 = vector.load %arg4[%swap3A_220, %swap3A_221, %swap3A_222] : memref<1x5376x1xf32, #tpu.memory_space<vmem>>, vector<1x5376x1xf32>
    %swap3A_224 = vector.shape_cast %swap3A_223 : vector<1x5376x1xf32> to vector<5376x1xf32>
    %swap3A_225 = vector.shape_cast %broadcast_in_dim3A_219 : vector<5376x1xf32> to vector<1x5376x1xf32>
    tpu.vector_store %arg4[%swap3A_220, %swap3A_221, %swap3A_222], %swap3A_225 {strides = array<i32>} : memref<1x5376x1xf32, #tpu.memory_space<vmem>>, vector<1x5376x1xf32>,
    return
  }
  func.func @transform_0(%arg0: i32) -> (i32, i32, i32) {
    %c0_i32 = arith.constant 0 : i32
    %c0_i32_0 = arith.constant 0 : i32
    %c0_i32_1 = arith.constant 0 : i32
    return %arg0, %c0_i32, %c0_i32_0 : i32, i32, i32
  }
  func.func @transform_1(%arg0: i32) -> (i32, i32, i32) {
    %c0_i32 = arith.constant 0 : i32
    %c0_i32_0 = arith.constant 0 : i32
    %c0_i32_1 = arith.constant 0 : i32
    return %arg0, %c0_i32, %c0_i32_0 : i32, i32, i32
  }
  func.func @transform_2(%arg0: i32) -> (i32, i32, i32) {
    %c0_i32 = arith.constant 0 : i32
    %c0_i32_0 = arith.constant 0 : i32
    %c0_i32_1 = arith.constant 0 : i32
    return %arg0, %c0_i32, %c0_i32_0 : i32, i32, i32
  }
  func.func @transform_3(%arg0: i32) -> (i32, i32, i32) {
    %c0_i32 = arith.constant 0 : i32
    %c0_i32_0 = arith.constant 0 : i32
    %c0_i32_1 = arith.constant 0 : i32
    return %arg0, %c0_i32, %c0_i32_0 : i32, i32, i32
  }
}

module attributes {stable_mosaic.version = 14 : i64} {
  func.func @_nms_body(%arg0: i32, %arg1: memref<1x256x4xf32, #tpu.memory_space<vmem>>, %arg2: memref<1x1x256xf32, #tpu.memory_space<vmem>>, %arg3: memref<1x1x256xf32, #tpu.memory_space<vmem>>, %arg4: memref<1x256x6xf32, #tpu.memory_space<vmem>>, %arg5: memref<1x1x256xf32, #tpu.memory_space<vmem>>, %arg6: memref<256x256xf32, #tpu.memory_space<vmem>>) attributes {dimension_semantics = [#tpu.dimension_semantics<arbitrary>], iteration_bounds = array<i64: 16>, scalar_prefetch = 0 : i64, scratch_operands = 1 : i64, tpu.core_type = #tpu.core_type<tc>, window_params = [{transform_indices = @transform_0, window_bounds = array<i64: 1, 256, 4>}, {transform_indices = @transform_1, window_bounds = array<i64: 1, 1, 256>}, {transform_indices = @transform_2, window_bounds = array<i64: 1, 1, 256>}, {transform_indices = @transform_3, window_bounds = array<i64: 1, 256, 6>}, {transform_indices = @transform_4, window_bounds = array<i64: 1, 1, 256>}]} {
    %get3A = arith.constant 0 : index
    %get3A_0 = arith.constant 0 : index
    %get3A_1 = arith.constant 0 : index
    %get3A_2 = vector.load %arg1[%get3A, %get3A_0, %get3A_1] : memref<1x256x4xf32, #tpu.memory_space<vmem>>, vector<1x256x4xf32>
    %get3A_3 = vector.shape_cast %get3A_2 : vector<1x256x4xf32> to vector<256x4xf32>
    %get3A_4 = arith.constant 0 : index
    %get3A_5 = arith.constant 0 : index
    %get3A_6 = arith.constant 0 : index
    %get3A_7 = vector.load %arg2[%get3A_4, %get3A_5, %get3A_6] : memref<1x1x256xf32, #tpu.memory_space<vmem>>, vector<1x1x256xf32>
    %get3A_8 = vector.shape_cast %get3A_7 : vector<1x1x256xf32> to vector<1x256xf32>
    %get3A_9 = arith.constant 0 : index
    %get3A_10 = arith.constant 0 : index
    %get3A_11 = arith.constant 0 : index
    %get3A_12 = vector.load %arg3[%get3A_9, %get3A_10, %get3A_11] : memref<1x1x256xf32, #tpu.memory_space<vmem>>, vector<1x1x256xf32>
    %get3A_13 = vector.shape_cast %get3A_12 : vector<1x1x256xf32> to vector<1x256xf32>
    %slice3A = vector.extract_strided_slice %get3A_3 {offsets = [0, 0], sizes = [256, 1], strides = [1, 1]} : vector<256x4xf32> to vector<256x1xf32>
    %slice3A_14 = vector.extract_strided_slice %get3A_3 {offsets = [0, 1], sizes = [256, 1], strides = [1, 1]} : vector<256x4xf32> to vector<256x1xf32>
    %slice3A_15 = vector.extract_strided_slice %get3A_3 {offsets = [0, 2], sizes = [256, 1], strides = [1, 1]} : vector<256x4xf32> to vector<256x1xf32>
    %slice3A_16 = vector.extract_strided_slice %get3A_3 {offsets = [0, 3], sizes = [256, 1], strides = [1, 1]} : vector<256x4xf32> to vector<256x1xf32>
    %transpose3A = tpu.transpose %slice3A, [1, 0] : vector<256x1xf32> -> vector<1x256xf32>
    %transpose3A_17 = tpu.transpose %slice3A_14, [1, 0] : vector<256x1xf32> -> vector<1x256xf32>
    %transpose3A_18 = tpu.transpose %slice3A_15, [1, 0] : vector<256x1xf32> -> vector<1x256xf32>
    %transpose3A_19 = tpu.transpose %slice3A_16, [1, 0] : vector<256x1xf32> -> vector<1x256xf32>
    %sub3A = arith.subf %slice3A_15, %slice3A : vector<256x1xf32>
    %max3A = arith.constant 0.000000e+00 : f32
    %max3A_20 = vector.broadcast %max3A : f32 to vector<256x1xf32>
    %max3A_21 = arith.maximumf %sub3A, %max3A_20 : vector<256x1xf32>
    %sub3A_22 = arith.subf %slice3A_16, %slice3A_14 : vector<256x1xf32>
    %max3A_23 = arith.constant 0.000000e+00 : f32
    %max3A_24 = vector.broadcast %max3A_23 : f32 to vector<256x1xf32>
    %max3A_25 = arith.maximumf %sub3A_22, %max3A_24 : vector<256x1xf32>
    %mul3A = arith.mulf %max3A_21, %max3A_25 : vector<256x1xf32>
    %transpose3A_26 = tpu.transpose %mul3A, [1, 0] : vector<256x1xf32> -> vector<1x256xf32>
    %max3A_27 = vector.broadcast %slice3A : vector<256x1xf32> to vector<256x256xf32>
    %max3A_28 = vector.broadcast %transpose3A : vector<1x256xf32> to vector<256x256xf32>
    %max3A_29 = arith.maximumf %max3A_27, %max3A_28 : vector<256x256xf32>
    %max3A_30 = vector.broadcast %slice3A_14 : vector<256x1xf32> to vector<256x256xf32>
    %max3A_31 = vector.broadcast %transpose3A_17 : vector<1x256xf32> to vector<256x256xf32>
    %max3A_32 = arith.maximumf %max3A_30, %max3A_31 : vector<256x256xf32>
    %min3A = vector.broadcast %slice3A_15 : vector<256x1xf32> to vector<256x256xf32>
    %min3A_33 = vector.broadcast %transpose3A_18 : vector<1x256xf32> to vector<256x256xf32>
    %min3A_34 = arith.minimumf %min3A, %min3A_33 : vector<256x256xf32>
    %min3A_35 = vector.broadcast %slice3A_16 : vector<256x1xf32> to vector<256x256xf32>
    %min3A_36 = vector.broadcast %transpose3A_19 : vector<1x256xf32> to vector<256x256xf32>
    %min3A_37 = arith.minimumf %min3A_35, %min3A_36 : vector<256x256xf32>
    %sub3A_38 = arith.subf %min3A_34, %max3A_29 : vector<256x256xf32>
    %max3A_39 = arith.constant 0.000000e+00 : f32
    %max3A_40 = vector.broadcast %max3A_39 : f32 to vector<256x256xf32>
    %max3A_41 = arith.maximumf %sub3A_38, %max3A_40 : vector<256x256xf32>
    %sub3A_42 = arith.subf %min3A_37, %max3A_32 : vector<256x256xf32>
    %max3A_43 = arith.constant 0.000000e+00 : f32
    %max3A_44 = vector.broadcast %max3A_43 : f32 to vector<256x256xf32>
    %max3A_45 = arith.maximumf %sub3A_42, %max3A_44 : vector<256x256xf32>
    %mul3A_46 = arith.mulf %max3A_41, %max3A_45 : vector<256x256xf32>
    %add3A = vector.broadcast %mul3A : vector<256x1xf32> to vector<256x256xf32>
    %add3A_47 = vector.broadcast %transpose3A_26 : vector<1x256xf32> to vector<256x256xf32>
    %add3A_48 = arith.addf %add3A, %add3A_47 : vector<256x256xf32>
    %sub3A_49 = arith.subf %add3A_48, %mul3A_46 : vector<256x256xf32>
    %max3A_50 = arith.constant 9.99999993E-9 : f32
    %max3A_51 = vector.broadcast %max3A_50 : f32 to vector<256x256xf32>
    %max3A_52 = arith.maximumf %sub3A_49, %max3A_51 : vector<256x256xf32>
    %div3A = arith.divf %mul3A_46, %max3A_52 : vector<256x256xf32>
    %transpose3A_53 = tpu.transpose %get3A_8, [1, 0] : vector<1x256xf32> -> vector<256x1xf32>
    %eq3A = vector.broadcast %transpose3A_53 : vector<256x1xf32> to vector<256x256xf32>
    %eq3A_54 = vector.broadcast %get3A_8 : vector<1x256xf32> to vector<256x256xf32>
    %eq3A_55 = arith.cmpf oeq, %eq3A, %eq3A_54 : vector<256x256xf32>
    %iota3A = tpu.iota {dimensions = array<i32: 0>} : vector<256x256xi32>
    %iota3A_56 = tpu.iota {dimensions = array<i32: 1>} : vector<256x256xi32>
    %lt3A = arith.cmpi slt, %iota3A, %iota3A_56 : vector<256x256xi32>
    %and3A = arith.andi %eq3A_55, %lt3A : vector<256x256xi1>
    %gt3A = arith.constant 5.000000e-01 : f32
    %gt3A_57 = vector.broadcast %gt3A : f32 to vector<256x256xf32>
    %gt3A_58 = arith.cmpf ogt, %div3A, %gt3A_57 : vector<256x256xf32>
    %and3A_59 = arith.andi %and3A, %gt3A_58 : vector<256x256xi1>
    %jit3A = arith.constant 1.000000e+00 : f32
    %jit3A_60 = arith.constant 0.000000e+00 : f32
    %broadcast_in_dim3A = vector.broadcast %jit3A : f32 to vector<256x256xf32>
    %broadcast_in_dim3A_61 = vector.broadcast %jit3A_60 : f32 to vector<256x256xf32>
    %select_n3A = arith.select %and3A_59, %broadcast_in_dim3A, %broadcast_in_dim3A_61 : vector<256x256xi1>, vector<256x256xf32>
    %swap3A = arith.constant 0 : index
    %swap3A_62 = arith.constant 0 : index
    %swap3A_63 = vector.load %arg6[%swap3A, %swap3A_62] : memref<256x256xf32, #tpu.memory_space<vmem>>, vector<256x256xf32>
    tpu.vector_store %arg6[%swap3A, %swap3A_62], %select_n3A {strides = array<i32>} : memref<256x256xf32, #tpu.memory_space<vmem>>, vector<256x256xf32>,
    %iota3A_64 = tpu.iota {dimensions = array<i32: 1>} : vector<1x256xi32>
    %broadcast_in_dim3A_65 = arith.constant 1.000000e+00 : f32
    %broadcast_in_dim3A_66 = vector.broadcast %broadcast_in_dim3A_65 : f32 to vector<1x256xf32>
    %scan3A = arith.constant 0 : i32
    %scan3A_67 = arith.constant 256 : i32
    %scan3A_68 = arith.addi %scan3A, %scan3A_67 : i32
    %scan3A_69 = arith.constant 1 : i32
    %scan3A_70 = scf.for %scan3A_90 = %scan3A to %scan3A_68 step %scan3A_69 iter_args(%scan3A_91 = %broadcast_in_dim3A_66) -> (vector<1x256xf32>)  : i32 {
      %get3A_92 = arith.index_cast %scan3A_90 : i32 to index
      %get3A_93 = arith.constant 0 : index
      %get3A_94 = vector.load %arg6[%get3A_92, %get3A_93] : memref<256x256xf32, #tpu.memory_space<vmem>>, vector<1x256xf32>
      %eq3A_95 = vector.broadcast %scan3A_90 : i32 to vector<1x256xi32>
      %eq3A_96 = arith.cmpi eq, %iota3A_64, %eq3A_95 : vector<1x256xi32>
      %jit3A_97 = arith.constant 0.000000e+00 : f32
      %broadcast_in_dim3A_98 = vector.broadcast %jit3A_97 : f32 to vector<1x256xf32>
      %select_n3A_99 = arith.select %eq3A_96, %scan3A_91, %broadcast_in_dim3A_98 : vector<1x256xi1>, vector<1x256xf32>
      %reduce_max3A = vector.shape_cast %select_n3A_99 : vector<1x256xf32> to vector<1x1x256xf32>
      %reduce_max3A_100 = arith.constant dense<0xFF800000> : vector<1xf32>
      %reduce_max3A_101 = vector.multi_reduction <maximumf>, %reduce_max3A, %reduce_max3A_100 [1, 2] : vector<1x1x256xf32> to vector<1xf32>
      %reduce_max3A_102 = vector.shape_cast %reduce_max3A_101 : vector<1xf32> to vector<1x1x1xf32>
      %reduce_max3A_103 = vector.extract %reduce_max3A_102[0, 0, 0] : f32 from vector<1x1x1xf32>
      %mul3A_104 = vector.broadcast %reduce_max3A_103 : f32 to vector<1x256xf32>
      %mul3A_105 = arith.mulf %mul3A_104, %get3A_94 : vector<1x256xf32>
      %sub3A_106 = arith.constant 1.000000e+00 : f32
      %sub3A_107 = vector.broadcast %sub3A_106 : f32 to vector<1x256xf32>
      %sub3A_108 = arith.subf %sub3A_107, %mul3A_105 : vector<1x256xf32>
      %mul3A_109 = arith.mulf %scan3A_91, %sub3A_108 : vector<1x256xf32>
      scf.yield %mul3A_109 : vector<1x256xf32>
    }
    %scan3A_71 = arith.constant 256 : i32
    %mul3A_72 = arith.mulf %get3A_13, %scan3A_70 : vector<1x256xf32>
    %swap3A_73 = arith.constant 0 : index
    %swap3A_74 = arith.constant 0 : index
    %swap3A_75 = arith.constant 0 : index
    %swap3A_76 = vector.load %arg5[%swap3A_73, %swap3A_74, %swap3A_75] : memref<1x1x256xf32, #tpu.memory_space<vmem>>, vector<1x1x256xf32>
    %swap3A_77 = vector.shape_cast %swap3A_76 : vector<1x1x256xf32> to vector<1x256xf32>
    %swap3A_78 = vector.shape_cast %mul3A_72 : vector<1x256xf32> to vector<1x1x256xf32>
    tpu.vector_store %arg5[%swap3A_73, %swap3A_74, %swap3A_75], %swap3A_78 {strides = array<i32>} : memref<1x1x256xf32, #tpu.memory_space<vmem>>, vector<1x1x256xf32>,
    %transpose3A_79 = tpu.transpose %get3A_8, [1, 0] : vector<1x256xf32> -> vector<256x1xf32>
    %transpose3A_80 = tpu.transpose %get3A_13, [1, 0] : vector<1x256xf32> -> vector<256x1xf32>
    %concatenate3A = tpu.concatenate %get3A_3, %transpose3A_79, %transpose3A_80 in 1 : vector<256x4xf32>, vector<256x1xf32>, vector<256x1xf32> -> vector<256x6xf32>
    %transpose3A_81 = tpu.transpose %scan3A_70, [1, 0] : vector<1x256xf32> -> vector<256x1xf32>
    %mul3A_82 = vector.broadcast %transpose3A_81 : vector<256x1xf32> to vector<256x6xf32>
    %mul3A_83 = arith.mulf %concatenate3A, %mul3A_82 : vector<256x6xf32>
    %swap3A_84 = arith.constant 0 : index
    %swap3A_85 = arith.constant 0 : index
    %swap3A_86 = arith.constant 0 : index
    %swap3A_87 = vector.load %arg4[%swap3A_84, %swap3A_85, %swap3A_86] : memref<1x256x6xf32, #tpu.memory_space<vmem>>, vector<1x256x6xf32>
    %swap3A_88 = vector.shape_cast %swap3A_87 : vector<1x256x6xf32> to vector<256x6xf32>
    %swap3A_89 = vector.shape_cast %mul3A_83 : vector<256x6xf32> to vector<1x256x6xf32>
    tpu.vector_store %arg4[%swap3A_84, %swap3A_85, %swap3A_86], %swap3A_89 {strides = array<i32>} : memref<1x256x6xf32, #tpu.memory_space<vmem>>, vector<1x256x6xf32>,
    return
  }
  func.func @transform_0(%arg0: i32) -> (i32, i32, i32) {
    %c0_i32 = arith.constant 0 : i32
    %c0_i32_0 = arith.constant 0 : i32
    %c0_i32_1 = arith.constant 0 : i32
    return %arg0, %c0_i32, %c0_i32_0 : i32, i32, i32
  }
  func.func @transform_1(%arg0: i32) -> (i32, i32, i32) {
    %c0_i32 = arith.constant 0 : i32
    %c0_i32_0 = arith.constant 0 : i32
    %c0_i32_1 = arith.constant 0 : i32
    return %arg0, %c0_i32, %c0_i32_0 : i32, i32, i32
  }
  func.func @transform_2(%arg0: i32) -> (i32, i32, i32) {
    %c0_i32 = arith.constant 0 : i32
    %c0_i32_0 = arith.constant 0 : i32
    %c0_i32_1 = arith.constant 0 : i32
    return %arg0, %c0_i32, %c0_i32_0 : i32, i32, i32
  }
  func.func @transform_3(%arg0: i32) -> (i32, i32, i32) {
    %c0_i32 = arith.constant 0 : i32
    %c0_i32_0 = arith.constant 0 : i32
    %c0_i32_1 = arith.constant 0 : i32
    return %arg0, %c0_i32, %c0_i32_0 : i32, i32, i32
  }
  func.func @transform_4(%arg0: i32) -> (i32, i32, i32) {
    %c0_i32 = arith.constant 0 : i32
    %c0_i32_0 = arith.constant 0 : i32
    %c0_i32_1 = arith.constant 0 : i32
    return %arg0, %c0_i32, %c0_i32_0 : i32, i32, i32
  }
}

</mosaic_0001>

<sc_bundles>
// kernel: gather_offload_async_start.1
scs
__scs_entry_jumppad:
0x0: {  	(pc) =	sbr.rel $0x88, $3  }
0x1: {  	(tag) =	ssettag $0x0;
	lr =	simm.s32 $0x1  }
0x2: {  	[smem:$0x3F9E] =	sst lr;
	_ =	strace $0xD0000000  }
0x3: {  	_ = 	snop  }
0x4: {  	_ = 	snop  }
0x5: {  	_ = 	snop  }
0x6: {  	_ = 	snop  }
0x7: {  	_ = 	snop  }
__scs_overlays_trampoline_lowered:
0x8: {  	[smem:$0x3FAD] =	sst s0  }
0x9: {  	[smem:$0x3FAE] =	sst s1  }
0xa: {  	[smem:$0x3FAF] =	sst s2  }
0xb: {  	[smem:$0x3FB0] =	sst s3  }
0xc: {  	[smem:$0x3FB1] =	sst s4  }
0xd: {  	[smem:$0x3FB2] =	sst s5  }
0xe: {  	[smem:$0x3FB3] =	sst s6  }
0xf: {  	[smem:$0x3FB4] =	sst s7  }
0x10: {  	[smem:$0x3FB5] =	sst s8  }
0x11: {  	[smem:$0x3FB6] =	sst s9;
	s0 =	simm.s32 @!p0 $0x0  }
0x12: {  	s1 =	sld [smem:$0x3F9C];
	s0 =	simm.s32 @p0 $0x1  }
0x13: {  	[smem:$0x3FB7] =	sst s0;
	s0 =	simm.s32 @!p1 $0x0  }
0x14: {  	s2 =	sld [smem:$0x3F9B];
	s0 =	simm.s32 @p1 $0x1  }
0x15: {  	[smem:$0x3FB8] =	sst s0;
	s0 =	simm.s32 @!p2 $0x0  }
0x16: {  	s3 =	sld [smem:$0x3FDB];
	s0 =	simm.s32 @p2 $0x1  }
0x17: {  	s4 =	simm.s32 $0x1BF5;
	[smem:$0x3FBA] =	sst s0  }
0x18: {  	s0 =	sld [smem:$0x3F9D];
	_ =	swait.ge [sflag:s4], $0x0  }
0x19: {  	s7 =	sld [smem:$0x3F9E]  }
0x1a: {  	s8 =	sadd.s32 $0xFFFFE003, lr  }
0x1b: {  	s9 =	sadd.s32 $0xFFFFFEF7, lr;
	s5 =	simm.s32 $0xFFFFFFFF;
	p2 =	slt.u32 s8, $0xFFFFF086  }
0x1c: {  	p1 =	slt.u32 s9, $0xF7A;
	s5 =	simm.s32 @!p2 $0x0  }
0x1d: {  	s5 =	simm.s32 @p1 $0x1;
	p0 =	seq.s32 s7, s2  }
0x1e: {  	s7 =	smul.u32 @!p0 $0xF7A, s2;
	p2 =	seq.s32 @!p0 s5, $0x0  }
0x1f: {  	s9 =	smul.u32 $0xF7A, s1;
	s8 =	simm.s32 @!p0 $0x1BF5;
	p2 =	por !p2, p0  }
0x20: {  	[sflag:s8] =	ssyncset.s32 @!p0 $0xFFFFF086;
	s6 =	sadd.s32 @!p0 s3, s7;
	s7 =	simm.s32 @!p0 $0x108  }
0x21: {  	s3 =	sadd.s32 s3, s9;
	s6 =	sadd.s32 @!p0 $0x88, s6;
	s7 =	simm.s32 @p2 $0x1082  }
0x22: {  	[simem:s7], [sflag:s8] =	dma.local @!p0 [hbm:s6], $0xF7A  }
0x23: {  	s9 =	sor.u32 $0xD0000000, s2;
	s6 =	simm.s32 $0x108;
	_ =	swait.ge @!p0 [sflag:s8], $0x0  }
0x24: {  	s3 =	sadd.s32 $0x88, s3;
	s6 =	simm.s32 @!p1 $0x1082;
	[sflag:s4] =	ssyncset.s32 $0xFFFFF086  }
0x25: {  	[simem:s6], [sflag:s4] =	dma.local [hbm:s3], $0xF7A  }
0x26: {  	[smem:$0x3F9E] =	sst s1;
	(tag) =	ssettag s2;
	_ =	strace s9  }
0x27: {  	s1 =	sld [smem:$0x3FAE]  }
0x28: {  	s2 =	sld [smem:$0x3FAF]  }
0x29: {  	s4 =	sld [smem:$0x3FB1]  }
0x2a: {  	p0 =	seq.s32 s5, $0x0;
	s5 =	sld [smem:$0x3FB2]  }
0x2b: {  	s6 =	sld [smem:$0x3FB3]  }
0x2c: {  	s7 =	sld [smem:$0x3FB4]  }
0x2d: {  	s3 =	simm.s32 $0x108;
	s8 =	sld [smem:$0x3FB5]  }
0x2e: {  	s3 =	simm.s32 @!p0 $0x1082;
	s9 =	sld [smem:$0x3FB6]  }
0x2f: {  	lr =	sadd.s32 s0, s3;
	s0 =	sld [smem:$0x3FAD]  }
0x30: {  	s3 =	sld [smem:$0x3FB0]  }
0x31: {  	[smem:$0x3FB9] =	sst s10  }
0x32: {  	s10 =	sld [smem:$0x3FB7];
	_ =	sdelay $0x3  }
0x33: {  	p0 =	seq.s32 s10, $0x1;
	s10 =	sld [smem:$0x3FB9];
	_ =	sdelay $0x3  }
0x34: {  	[smem:$0x3FB9] =	sst s10  }
0x35: {  	s10 =	sld [smem:$0x3FB8];
	_ =	sdelay $0x3  }
0x36: {  	p1 =	seq.s32 s10, $0x1;
	s10 =	sld [smem:$0x3FB9];
	_ =	sdelay $0x3  }
0x37: {  	[smem:$0x3FB9] =	sst s10  }
0x38: {  	s10 =	sld [smem:$0x3FBA]  }
0x39: {  	_ = 	snop;
	(pc) =	sbr.ind lr, $3  }
0x3a: {  	_ = 	snop  }
0x3b: {  	_ = 	snop  }
0x3c: {  	p2 =	seq.s32 s10, $0x1;
	s10 =	sld [smem:$0x3FB9]  }
0x3d: {  	_ =	shalt  }
0x3e: {  	_ =	shalt  }
0x3f: {  	_ =	shalt  }
0x40: {  	_ =	shalt  }
0x41: {  	_ =	shalt  }
0x42: {  	_ =	shalt  }
0x43: {  	_ =	shalt  }
0x44: {  	_ =	shalt  }
0x45: {  	_ =	shalt  }
0x46: {  	_ =	shalt  }
0x47: {  	_ =	shalt  }
0x48: {  	_ =	shalt  }
0x49: {  	_ =	shalt  }
0x4a: {  	_ =	shalt  }
0x4b: {  	_ =	shalt  }
0x4c: {  	_ =	shalt  }
0x4d: {  	_ =	shalt  }
0x4e: {  	_ =	shalt  }
0x4f: {  	_ =	shalt  }
0x50: {  	_ =	shalt  }
0x51: {  	_ =	shalt  }
0x52: {  	_ =	shalt  }
0x53: {  	_ =	shalt  }
0x54: {  	_ =	shalt  }
0x55: {  	_ =	shalt  }
0x56: {  	_ =	shalt  }
0x57: {  	_ =	shalt  }
0x58: {  	_ =	shalt  }
0x59: {  	_ =	shalt  }
0x5a: {  	_ =	shalt  }
0x5b: {  	_ =	shalt  }
0x5c: {  	_ =	shalt  }
0x5d: {  	_ =	shalt  }
0x5e: {  	_ =	shalt  }
0x5f: {  	_ =	shalt  }
0x60: {  	_ =	shalt  }
0x61: {  	_ =	shalt  }
0x62: {  	_ =	shalt  }
0x63: {  	_ =	shalt  }
0x64: {  	_ =	shalt  }
0x65: {  	_ =	shalt  }
0x66: {  	_ =	shalt  }
0x67: {  	_ =	shalt  }
0x68: {  	_ =	shalt  }
0x69: {  	_ =	shalt  }
0x6a: {  	_ =	shalt  }
0x6b: {  	_ =	shalt  }
0x6c: {  	_ =	shalt  }
0x6d: {  	_ =	shalt  }
0x6e: {  	_ =	shalt  }
0x6f: {  	_ =	shalt  }
0x70: {  	_ =	shalt  }
0x71: {  	_ =	shalt  }
0x72: {  	_ =	shalt  }
0x73: {  	_ =	shalt  }
0x74: {  	_ =	shalt  }
0x75: {  	_ =	shalt  }
0x76: {  	_ =	shalt  }
0x77: {  	_ =	shalt  }
0x78: {  	_ =	shalt  }
0x79: {  	_ =	shalt  }
0x7a: {  	_ =	shalt  }
0x7b: {  	_ =	shalt  }
0x7c: {  	_ =	shalt  }
0x7d: {  	_ =	shalt  }
0x7e: {  	_ =	shalt  }
0x7f: {  	_ =	shalt  }
0x80: {  	_ =	shalt  }
0x81: {  	_ =	shalt  }
0x82: {  	_ =	shalt  }
0x83: {  	_ =	shalt  }
0x84: {  	_ =	shalt  }
0x85: {  	_ =	shalt  }
0x86: {  	_ =	shalt  }
0x87: {  	_ =	shalt  }
.Lfunc_end0:
.L_simem_size_0:
called_computation.1_lowered:
.L_overlay_start_0:
0x88: {  	s2 =	sld [smem:$0x3FD9]  }
0x89: {  	s3 =	sld [smem:$0x3FFE];
	_ =	sdelay $0x1  }
0x8a: {  	s1 =	srdreg.scid  }
0x8b: {  	s0 =	sand.u32 $0x1, s1  }
0x8c: {  	s17 =	sshll.u32 s0, $0xA;
	s2 =	sadd.s32 s3, s2  }
0x8d: {  	s2 =	sadd.s32 s2, s17  }
0x8e: {  	[smem:$0x3FC5] =	sst s2  }
0x8f: {  	_ = 	snop  }
0x90: {  	s2 =	sld [smem:$0x3FD0];
	(tm) =	ssettm $0x1  }
0x91: {  	s18 =	sld [smem:$0x3FFB];
	_ =	sdelay $0x3  }
0x92: {  	_ =	strace s18  }
0x93: {  	s3 =	sld [smem:$0x3FFC];
	_ =	sdelay $0x3  }
0x94: {  	_ =	strace s3  }
0x95: {  	s3 =	sld [smem:$0x3FFD];
	_ =	sdelay $0x3  }
0x96: {  	_ =	strace s3  }
0x97: {  	_ =	strace $0x8FFFFFFF  }
0x98: {  	s19 =	sld [smem:$0x3FDB];
	_ =	sdelay $0x1  }
0x99: {  	s4 =	simm.s32 $_scs_section_size  }
0x9a: {  	s5 =	simm.s32 $_size__tile_overlayer_lowered;
	s6 =	simm.s32 $_tile_overlayer_lowered  }
0x9b: {  	s22 =	simm.s32 $0x1BFF;
	s21 =	sshll.u32 s6, $0x1;
	s3 =	sadd.s32 s4, s19  }
0x9c: {  	s7 =	simm.s32 $0x0;
	s20 =	sshll.u32 s5, $0x1;
	s5 =	sadd.s32 s21, s3  }
0x9d: {  	[timem:s7], [sflag:s22] =	dma.local [hbm:s5], s20  }
0x9e: {  	_ =	swait.ge [sflag:s22], s20  }
0x9f: {  	s4 =	ssub.s32 $0x0, s20;
	[sflag:s22] =	ssyncset.done $0x0  }
0xa0: {  	[sflag:s22] =	ssyncadd.s32 s4;
	_ =	sdelay $0x1  }
0xa1: {  	s23 =	simm.s32 $0x1B8B  }
0xa2: {  	_ =	swait.ge [sflag:s23], $0x1  }
0xa3: {  	[sflag:s23] =	ssyncset.done $0x0  }
0xa4: {  	s25 =	simm.s32 $0x1B8E;
	s24 =	sld [smem:$0x3FFE];
	[sflag:s23] =	ssyncadd.s32 $0xFFFFFFFF  }
0xa5: {  	s26 =	simm.s32 $execute0_lowered;
	[smem:$0x3FD2] =	sst s25  }
0xa6: {  	s5 =	sshll.u32 s26, $0x1;
	_ =	strace $0x80000049;
	[dreg:$0x1] =	wrdreg $0xFFFFFFFF  }
0xa7: {  	s28 =	simm.s32 $_size_execute0_lowered;
	s3 =	sadd.s32 s3, s5;
	[dreg:$0x0] =	wrdreg $0x0  }
0xa8: {  	s5 =	sshll.u32 s28, $0x1;
	[dreg:$0x2] =	wrdreg s3  }
0xa9: {  	[dreg:$0x3] =	wrdreg s5  }
0xaa: {  	[dreg:$0x4] =	wrdreg $0xC0  }
0xab: {  	_ =	task [dreg:s7], $0x5FFFF  }
0xac: {  	[dreg:$0x1] =	wrdreg $0xFFFFFFFF  }
0xad: {  	[dreg:$0x0] =	wrdreg $0x60  }
0xae: {  	[dreg:$0x2] =	wrdreg s2  }
0xaf: {  	[dreg:$0x3] =	wrdreg s24  }
0xb0: {  	[dreg:$0x4] =	wrdreg $0x9  }
0xb1: {  	_ =	task.clear_ibuf [dreg:s7], $0x5FFFF;
	_ =	strace $0x90000049  }
0xb2: {  	s29 =	simm.s32 $0x9;
	_ =	strace $0x8000004B  }
0xb3: {  	_ =	swait.ge [sflag:s29], $0x1  }
0xb4: {  	[sflag:s29] =	ssyncadd.s32 $0xFFFFFFFF  }
0xb5: {  	_ =	strace $0x9000004B  }
0xb6: {  	_ =	sfence  }
0xb7: {  	s30 =	sld [smem:$0x0];
	_ =	sdelay $0x2  }
0xb8: {  	s31 =	sshll.u32 s1, $0xD;
	s1 =	sshrl.u32 s1, $0x2  }
0xb9: {  	s3 =	sand.u32 $0x4000, s31;
	s1 =	sadd.s32 s1, s30  }
0xba: {  	s0 =	sor.u32 s3, s0;
	s1 =	sshll.u32 s1, $0x11  }
0xbb: {  	s0 =	sor.u32 s1, s0  }
0xbc: {  	s0 =	sadd.s32 $0x8F2B, s0  }
0xbd: {  	[sflag:s0] =	ssyncadd.remote.s32 $0x1  }
0xbe: {  	_ =	sfence.sel $0xFFFF  }
0xbf: {  	[dreg:$0x0] =	wrdreg $0xFFFFFFFF;
	(pc) =	sbr.abs _section_cstart, $3  }
0xc0: {  	[dreg:$0x1] =	wrdreg $0xFFFFFFFF  }
0xc1: {  	_ =	task.clear_ibuf [dreg:s7], $0x2FFFF;
	_ =	strace $0x9FFFFFFF  }
0xc2: {  	(tm) =	ssettm $0x7FFFFFFF  }
0xc3: {  	_ =	shalt  }
tec
execute0_lowered:
.L_overlay_start_1:
0x0: {  	(tag) =	ssettag $0x1  }
0x1: {  	s1 =	srdreg.scid;
	s2 =	rddreg [dreg:$0x0]  }
0x2: {  	s0 =	stileid.u32;
	s3 =	rddreg [dreg:$0x1]  }
0x3: {  	s6 =	simm.s32 $0x1;
	s9 =	simm.s32 $0x1;
	s1 =	sshll.u32 s1, $0x6  }
0x4: {  	s10 =	simm.s32 $0x3;
	s4 =	sshll.u32 s0, $0x7;
	s5 =	sand.u32 $0x40, s1  }
0x5: {  	s13 =	simm.s32 $0x0;
	s12 =	simm.s32 $0x0;
	s4 =	sor.u32 s4, s5  }
0x6: {  	s1 =	rddreg [dreg:$0x2];
	_ =	strace $0x8000004A;
	s8 =	ssub.s32 $0x1000, s4  }
.Ltmp0:
0x7: {  	s5 =	sadd.s32 $0x200, s3;
	s7 =	sand.u32 $0x7C0, s8;
	(pc) =	sbr.rel .LBB2_1-.Ltmp0, $4  }
0x8: {  	[sflag:s6] =	ssyncpa.u1 $0x0;
	s11 =	smov.u32 s4;
	p0 =	sne.s32 s7, $0x0  }
0x9: {  	s8 =	sshrl.u32 s8, $0xB;
	s7 =	simm.s32 $0x2;
	s9 =	simm.s32 @!p0 $0x0  }
0xa: {  	[sflag:s7] =	ssyncpa.u1 $0x0;
	p0 =	por $0x0, $0x0;
	s8 =	sadd.s32 s9, s8  }
0xb: {  	vm0 =	vmmov $0xffff;
	[sflag:s10] =	ssyncpa.u1 $0x0;
	s10 =	simm.s32 $0x0;
	s9 =	sadd.s32 $0x1, s8  }
.LBB2_4:
0xc: {  	vm1 =	veq.s32 v0, $0x80000000;
	v63 =	vand.u32 $0xF, v0;
	v2 =	vand.u32 $0xFF, v2  }
0xd: {  	v0 =	vsel vm1, $0xFFFFFFFF, v63;
	v2 =	vsel vm1, $0xFFFFFFFF, v2  }
0xe: {  	v3 =	vshll.u32 v0, $0x8;
	v4 =	vshll.u32 v2, $0x3  }
0xf: {  	v0 =	vshll.u32 v0, $0x7;
	v3 =	vand.u32 $0xFFFFF800, v3;
	v4 =	vand.u32 $0xFFFFFC00, v4  }
0x10: {  	v0 =	vand.u32 $0x380, v0;
	v3 =	vadd.s32 v3, v4  }
0x11: {  	v2 =	vand.u32 $0x7F, v2;
	v0 =	vor.u32 v0, v3  }
0x12: {  	v0 =	vor.u32 v2, v0;
	_ =	sdelay $0x1  }
0x13: {  	(ifvalue) =	ssetifvalue $0x7FFFFFFF;
	s14 =	sadd.s32 $0x10, s14  }
0x14: {  	[tilespmem:s14], [sflag:$0x1] =	stream.indirect_vreg.gather [hbm4b:s2+s10], $0x1, v1, vm0, $0x4038;
	[tilespmem:$0x100] =	vst v63  }
0x15: {  	(ifvalue) =	ssetifvalue $0x7FFFFFFF;
	s14 =	sadd.s32 $0x10, s14  }
0x16: {  	[tilespmem:s14], [sflag:$0x1] =	stream.indirect_vreg.gather [hbm4b:s2+s10], $0x1, v0, vm0, $0x4038;
	[tilespmem:$0x100] =	vst v63  }
0x17: {  	_ =	swait.ge [sflag:s6], $0x40  }
0x18: {  	s30 =	sshrl.u32 s13, $0x3;
	[sflag:s6] =	ssyncset.done $0x0  }
0x19: {  	s31 =	sand.u32 $0x7, s13;
	s14 =	sadd.s32 s5, s30;
	[sflag:s6] =	ssyncadd.s32 $0xFFFFFFC0  }
0x1a: {  	[hbm4b:s14+s31] =	stream.linear.scatter [tilespmem:s15], [sflag:$0x3], $0x40, $0x38;
	[tilespmem:$0x100] =	vst v63  }
.LBB2_5:
0x1b: {  	s15 =	sadd.s32 $0x800, s11  }
0x1c: {  	p2 =	sgt.s32 s15, $0xFFF  }
0x1d: {  	s15 =	smov.u32 @p2 s4;
	p2 =	sne.s32 s12, s9  }
.Ltmp1:
0x1e: {  	p1 =	slt.u32 s12, $0x2;
	(pc) =	sbr.rel @!p2 .LBB2_6-.Ltmp1, $4  }
0x1f: {  	s14 =	simm.s32 @!p1 $0x3  }
0x20: {  	s16 =	sadd.s32 $0x1, s12;
	_ =	swait.ge @!p1 [sflag:s14], $0x40  }
0x21: {  	s13 =	smov.u32 s11;
	p0 =	por !p0, !p0;
	[sflag:s14] =	ssyncset.done @!p1 $0x0  }
0x22: {  	s12 =	smov.u32 s16;
	s11 =	smov.u32 s15;
	[sflag:s14] =	ssyncadd.s32 @!p1 $0xFFFFFFC0  }
.LBB2_1:
0x23: {  	p1 =	sge.u32 s12, s8  }
0x24: {  	s14 =	sxor.u32 @!p1 $0xFFFFFFFF, s12  }
0x25: {  	s31 =	sadd.s32 $0xFFFFFFFF, s12;
	s15 =	sshrl.u32 @!p1 s11, $0x3;
	s14 =	sshll.u32 @!p1 s14, $0x6  }
0x26: {  	s16 =	sand.u32 @!p1 $0x7, s11;
	s15 =	sadd.s32 @!p1 s3, s15;
	s14 =	sand.u32 @!p1 $0x40, s14  }
0x27: {  	[tilespmem:s14], [sflag:$0x2] =	stream.linear.gather @!p1 [hbm4b:s15+s16], $0x40, $0x38;
	[tilespmem:$0x100] =	vst v63  }
0x28: {  	p1 =	sge.u32 s31, s8  }
.Ltmp2:
0x29: {  	_ = 	snop;
	(pc) =	sbr.rel @p1 .LBB2_5-.Ltmp2, $1  }
0x2a: {  	_ =	sdelay $0x3  }
0x2b: {  	s14 =	simm.s32 $0x1  }
0x2c: {  	_ =	swait.ge [sflag:s7], $0x40;
	s14 =	simm.s32 @!p0 $0x0  }
0x2d: {  	[sflag:s7] =	ssyncset.done $0x0;
	s14 =	sshll.u32 s14, $0x6  }
0x2e: {  	[sflag:s7] =	ssyncadd.s32 $0xFFFFFFC0;
	(ifvalue) =	ssetifvalue $0x7FFFFFFF;
	v0 =	vld.msk [tilespmem:s14+$0x0 ss:$0x1], $0xffff;
	_ =	sdelay $0x3  }
0x2f: {  	s15 =	sadd.s32 $0x10, s14  }
0x30: {  	v2 =	vld.msk [tilespmem:s15+$0x0 ss:$0x1], $0xffff;
	v1 =	vshrl.u32 v0, $0x4  }
0x31: {  	vm1 =	veq.s32 v0, $0x80000000;
	v0 =	vand.u32 $0xF, v0;
	v1 =	vand.u32 $0xFF, v1  }
0x32: {  	v0 =	vsel vm1, $0xFFFFFFFF, v0;
	v1 =	vsel vm1, $0xFFFFFFFF, v1  }
0x33: {  	v3 =	vshll.u32 v0, $0x8;
	v4 =	vshll.u32 v1, $0x3  }
0x34: {  	v0 =	vshll.u32 v0, $0x7;
	v3 =	vand.u32 $0xFFFFF800, v3;
	v4 =	vand.u32 $0xFFFFFC00, v4  }
0x35: {  	vm1 =	veq.s32 v2, $0x80000000;
	v0 =	vand.u32 $0x380, v0;
	v3 =	vadd.s32 v3, v4  }
0x36: {  	v1 =	vand.u32 $0x7F, v1;
	v0 =	vor.u32 v0, v3;
	v3 =	vshrl.u32 v2, $0x4  }
0x37: {  	s17 =	sadd.s32 $0x10, s15;
	v2 =	vand.u32 $0xF, v2;
	v1 =	vor.u32 v1, v0;
	v3 =	vand.u32 $0xFF, v3  }
0x38: {  	v0 =	vld.msk [tilespmem:s17+$0x0 ss:$0x1], $0xffff;
	v2 =	vsel vm1, $0xFFFFFFFF, v2;
	v3 =	vsel vm1, $0xFFFFFFFF, v3  }
0x39: {  	v63 =	vshll.u32 v2, $0x8;
	v5 =	vshll.u32 v3, $0x3  }
0x3a: {  	s31 =	sshll.u32 s12, $0x6;
	v2 =	vshll.u32 v2, $0x7;
	v4 =	vand.u32 $0xFFFFF800, v63;
	v5 =	vand.u32 $0xFFFFFC00, v5  }
0x3b: {  	s14 =	sor.u32 $0x80, s14;
	s15 =	sand.u32 $0x40, s31;
	(ifvalue) =	ssetifvalue $0x7FFFFFFF;
	v2 =	vand.u32 $0x380, v2;
	v4 =	vadd.s32 v4, v5  }
0x3c: {  	[tilespmem:s14], [sflag:$0x1] =	stream.indirect_vreg.gather [hbm4b:s2+s10], $0x1, v1, vm0, $0x4038;
	v1 =	vand.u32 $0x7F, v3;
	v3 =	vor.u32 v2, v4;
	[tilespmem:$0x100] =	vst v63  }
0x3d: {  	s16 =	simm.s32 $0x20;
	s15 =	sor.u32 $0x80, s15;
	s17 =	sadd.s32 $0x10, s17;
	v2 =	vshrl.u32 v0, $0x4;
	v1 =	vor.u32 v1, v3  }
.LBB2_3:
0x3e: {  	s16 =	sadd.s32 $0x10, s16;
	vm1 =	veq.s32 v0, $0x80000000;
	v3 =	vand.u32 $0xF, v0;
	v0 =	vld.msk [tilespmem:s17+$0x0 ss:$0x1], $0xffff;
	v2 =	vand.u32 $0xFF, v2  }
0x3f: {  	p1 =	slt.u32 s16, $0x30;
	v3 =	vsel vm1, $0xFFFFFFFF, v3;
	v2 =	vsel vm1, $0xFFFFFFFF, v2  }
.Ltmp3:
0x40: {  	v4 =	vshll.u32 v3, $0x8;
	v5 =	vshll.u32 v2, $0x3;
	(pc) =	sbr.rel @p1 .LBB2_3-.Ltmp3, $4  }
0x41: {  	s14 =	sadd.s32 $0x10, s14;
	v3 =	vshll.u32 v3, $0x7;
	v4 =	vand.u32 $0xFFFFF800, v4;
	v5 =	vand.u32 $0xFFFFFC00, v5;
	(ifvalue) =	ssetifvalue $0x7FFFFFFF  }
0x42: {  	v3 =	vand.u32 $0x380, v3;
	v4 =	vadd.s32 v4, v5;
	[tilespmem:s14], [sflag:$0x1] =	stream.indirect_vreg.gather [hbm4b:s2+s10], $0x1, v1, vm0, $0x4038;
	[tilespmem:$0x100] =	vst v63  }
0x43: {  	v1 =	vand.u32 $0x7F, v2;
	v3 =	vor.u32 v3, v4  }
0x44: {  	s17 =	sadd.s32 $0x10, s17;
	v2 =	vshrl.u32 v0, $0x4;
	v1 =	vor.u32 v1, v3  }
.Ltmp4:
0x45: {  	_ = 	snop;
	(pc) =	sbr.rel .LBB2_4-.Ltmp4, $1  }
0x46: {  	_ =	sdelay $0x3  }
.LBB2_6:
0x47: {  	_ =	sfence.sel $0x180000  }
0x48: {  	s2 =	simm.s32 $0x2;
	[bflag:$0x0] =	sbarrier.arrive $0xFFFF  }
0x49: {  	s30 =	simm.s32 $0x3;
	[sflag:s2] =	ssyncpa.u1 $0x1  }
0x4a: {  	s31 =	simm.s32 $0x1;
	[sflag:s30] =	ssyncpa.u1 $0x1  }
0x4b: {  	[sflag:s31] =	ssyncpa.u1 $0x1  }
0x4c: {  	p0 =	sne.s32 s0, $0x0;
	_ =	strace $0x9000004A  }
0x4d: {  	s0 =	sadd.s32 @!p0 $0x100000, s1;
	[bflag:$0x2] =	sbarrier.arrive $0xFFFF  }
0x4e: {  	[sflag:s0] =	ssyncadd.tile.s32 @!p0 $0x1;
	_ =	shalt  }
.Lfunc_end2:
_tile_overlayer_lowered:
.L_overlay_start_2:
0x4f: {  	(tag) =	ssettag $0x2  }
0x50: {  	s0 =	rddreg [dreg:$0x0];
	s2 =	stileid.u32  }
0x51: {  	s1 =	rddreg [dreg:$0x1];
	p0 =	sne.s32 s2, $0x0  }
0x52: {  	s3 =	rddreg [dreg:$0x2];
	[bflag:$0x3] =	sbarrier.arrive $0xFFFF;
	s2 =	simm.s32 @!p0 $0x1C01  }
0x53: {  	[timem:s3], [sflag:s2] =	dma.local @!p0 [hbm:s0], s1  }
0x54: {  	s0 =	simm.s32 @!p0 $0x1  }
0x55: {  	_ =	swait.ge @!p0 [sflag:s0], s1  }
0x56: {  	s1 =	ssub.s32 @!p0 $0x0, s1;
	[sflag:s0] =	ssyncset.done @!p0 $0x0  }
0x57: {  	[sflag:s0] =	ssyncadd.s32 @!p0 s1  }
0x58: {  	[bflag:$0x3] =	sbarrier.arrive $0xFFFF  }
0x59: {  	_ =	shalt  }

// kernel: gather_offload_async_start.2
scs
__scs_entry_jumppad:
0x0: {  	(pc) =	sbr.rel $0x88, $3  }
0x1: {  	(tag) =	ssettag $0x0;
	lr =	simm.s32 $0x1  }
0x2: {  	[smem:$0x3F9E] =	sst lr;
	_ =	strace $0xD0000000  }
0x3: {  	_ = 	snop  }
0x4: {  	_ = 	snop  }
0x5: {  	_ = 	snop  }
0x6: {  	_ = 	snop  }
0x7: {  	_ = 	snop  }
__scs_overlays_trampoline_lowered:
0x8: {  	[smem:$0x3FAD] =	sst s0  }
0x9: {  	[smem:$0x3FAE] =	sst s1  }
0xa: {  	[smem:$0x3FAF] =	sst s2  }
0xb: {  	[smem:$0x3FB0] =	sst s3  }
0xc: {  	[smem:$0x3FB1] =	sst s4  }
0xd: {  	[smem:$0x3FB2] =	sst s5  }
0xe: {  	[smem:$0x3FB3] =	sst s6  }
0xf: {  	[smem:$0x3FB4] =	sst s7  }
0x10: {  	[smem:$0x3FB5] =	sst s8  }
0x11: {  	[smem:$0x3FB6] =	sst s9;
	s0 =	simm.s32 @!p0 $0x0  }
0x12: {  	s1 =	sld [smem:$0x3F9C];
	s0 =	simm.s32 @p0 $0x1  }
0x13: {  	[smem:$0x3FB7] =	sst s0;
	s0 =	simm.s32 @!p1 $0x0  }
0x14: {  	s2 =	sld [smem:$0x3F9B];
	s0 =	simm.s32 @p1 $0x1  }
0x15: {  	[smem:$0x3FB8] =	sst s0;
	s0 =	simm.s32 @!p2 $0x0  }
0x16: {  	s3 =	sld [smem:$0x3FDB];
	s0 =	simm.s32 @p2 $0x1  }
0x17: {  	s4 =	simm.s32 $0x1BF5;
	[smem:$0x3FBA] =	sst s0  }
0x18: {  	s0 =	sld [smem:$0x3F9D];
	_ =	swait.ge [sflag:s4], $0x0  }
0x19: {  	s7 =	sld [smem:$0x3F9E]  }
0x1a: {  	s8 =	sadd.s32 $0xFFFFE003, lr  }
0x1b: {  	s9 =	sadd.s32 $0xFFFFFEF7, lr;
	s5 =	simm.s32 $0xFFFFFFFF;
	p2 =	slt.u32 s8, $0xFFFFF086  }
0x1c: {  	p1 =	slt.u32 s9, $0xF7A;
	s5 =	simm.s32 @!p2 $0x0  }
0x1d: {  	s5 =	simm.s32 @p1 $0x1;
	p0 =	seq.s32 s7, s2  }
0x1e: {  	s7 =	smul.u32 @!p0 $0xF7A, s2;
	p2 =	seq.s32 @!p0 s5, $0x0  }
0x1f: {  	s9 =	smul.u32 $0xF7A, s1;
	s8 =	simm.s32 @!p0 $0x1BF5;
	p2 =	por !p2, p0  }
0x20: {  	[sflag:s8] =	ssyncset.s32 @!p0 $0xFFFFF086;
	s6 =	sadd.s32 @!p0 s3, s7;
	s7 =	simm.s32 @!p0 $0x108  }
0x21: {  	s3 =	sadd.s32 s3, s9;
	s6 =	sadd.s32 @!p0 $0x88, s6;
	s7 =	simm.s32 @p2 $0x1082  }
0x22: {  	[simem:s7], [sflag:s8] =	dma.local @!p0 [hbm:s6], $0xF7A  }
0x23: {  	s9 =	sor.u32 $0xD0000000, s2;
	s6 =	simm.s32 $0x108;
	_ =	swait.ge @!p0 [sflag:s8], $0x0  }
0x24: {  	s3 =	sadd.s32 $0x88, s3;
	s6 =	simm.s32 @!p1 $0x1082;
	[sflag:s4] =	ssyncset.s32 $0xFFFFF086  }
0x25: {  	[simem:s6], [sflag:s4] =	dma.local [hbm:s3], $0xF7A  }
0x26: {  	[smem:$0x3F9E] =	sst s1;
	(tag) =	ssettag s2;
	_ =	strace s9  }
0x27: {  	s1 =	sld [smem:$0x3FAE]  }
0x28: {  	s2 =	sld [smem:$0x3FAF]  }
0x29: {  	s4 =	sld [smem:$0x3FB1]  }
0x2a: {  	p0 =	seq.s32 s5, $0x0;
	s5 =	sld [smem:$0x3FB2]  }
0x2b: {  	s6 =	sld [smem:$0x3FB3]  }
0x2c: {  	s7 =	sld [smem:$0x3FB4]  }
0x2d: {  	s3 =	simm.s32 $0x108;
	s8 =	sld [smem:$0x3FB5]  }
0x2e: {  	s3 =	simm.s32 @!p0 $0x1082;
	s9 =	sld [smem:$0x3FB6]  }
0x2f: {  	lr =	sadd.s32 s0, s3;
	s0 =	sld [smem:$0x3FAD]  }
0x30: {  	s3 =	sld [smem:$0x3FB0]  }
0x31: {  	[smem:$0x3FB9] =	sst s10  }
0x32: {  	s10 =	sld [smem:$0x3FB7];
	_ =	sdelay $0x3  }
0x33: {  	p0 =	seq.s32 s10, $0x1;
	s10 =	sld [smem:$0x3FB9];
	_ =	sdelay $0x3  }
0x34: {  	[smem:$0x3FB9] =	sst s10  }
0x35: {  	s10 =	sld [smem:$0x3FB8];
	_ =	sdelay $0x3  }
0x36: {  	p1 =	seq.s32 s10, $0x1;
	s10 =	sld [smem:$0x3FB9];
	_ =	sdelay $0x3  }
0x37: {  	[smem:$0x3FB9] =	sst s10  }
0x38: {  	s10 =	sld [smem:$0x3FBA]  }
0x39: {  	_ = 	snop;
	(pc) =	sbr.ind lr, $3  }
0x3a: {  	_ = 	snop  }
0x3b: {  	_ = 	snop  }
0x3c: {  	p2 =	seq.s32 s10, $0x1;
	s10 =	sld [smem:$0x3FB9]  }
0x3d: {  	_ =	shalt  }
0x3e: {  	_ =	shalt  }
0x3f: {  	_ =	shalt  }
0x40: {  	_ =	shalt  }
0x41: {  	_ =	shalt  }
0x42: {  	_ =	shalt  }
0x43: {  	_ =	shalt  }
0x44: {  	_ =	shalt  }
0x45: {  	_ =	shalt  }
0x46: {  	_ =	shalt  }
0x47: {  	_ =	shalt  }
0x48: {  	_ =	shalt  }
0x49: {  	_ =	shalt  }
0x4a: {  	_ =	shalt  }
0x4b: {  	_ =	shalt  }
0x4c: {  	_ =	shalt  }
0x4d: {  	_ =	shalt  }
0x4e: {  	_ =	shalt  }
0x4f: {  	_ =	shalt  }
0x50: {  	_ =	shalt  }
0x51: {  	_ =	shalt  }
0x52: {  	_ =	shalt  }
0x53: {  	_ =	shalt  }
0x54: {  	_ =	shalt  }
0x55: {  	_ =	shalt  }
0x56: {  	_ =	shalt  }
0x57: {  	_ =	shalt  }
0x58: {  	_ =	shalt  }
0x59: {  	_ =	shalt  }
0x5a: {  	_ =	shalt  }
0x5b: {  	_ =	shalt  }
0x5c: {  	_ =	shalt  }
0x5d: {  	_ =	shalt  }
0x5e: {  	_ =	shalt  }
0x5f: {  	_ =	shalt  }
0x60: {  	_ =	shalt  }
0x61: {  	_ =	shalt  }
0x62: {  	_ =	shalt  }
0x63: {  	_ =	shalt  }
0x64: {  	_ =	shalt  }
0x65: {  	_ =	shalt  }
0x66: {  	_ =	shalt  }
0x67: {  	_ =	shalt  }
0x68: {  	_ =	shalt  }
0x69: {  	_ =	shalt  }
0x6a: {  	_ =	shalt  }
0x6b: {  	_ =	shalt  }
0x6c: {  	_ =	shalt  }
0x6d: {  	_ =	shalt  }
0x6e: {  	_ =	shalt  }
0x6f: {  	_ =	shalt  }
0x70: {  	_ =	shalt  }
0x71: {  	_ =	shalt  }
0x72: {  	_ =	shalt  }
0x73: {  	_ =	shalt  }
0x74: {  	_ =	shalt  }
0x75: {  	_ =	shalt  }
0x76: {  	_ =	shalt  }
0x77: {  	_ =	shalt  }
0x78: {  	_ =	shalt  }
0x79: {  	_ =	shalt  }
0x7a: {  	_ =	shalt  }
0x7b: {  	_ =	shalt  }
0x7c: {  	_ =	shalt  }
0x7d: {  	_ =	shalt  }
0x7e: {  	_ =	shalt  }
0x7f: {  	_ =	shalt  }
0x80: {  	_ =	shalt  }
0x81: {  	_ =	shalt  }
0x82: {  	_ =	shalt  }
0x83: {  	_ =	shalt  }
0x84: {  	_ =	shalt  }
0x85: {  	_ =	shalt  }
0x86: {  	_ =	shalt  }
0x87: {  	_ =	shalt  }
.Lfunc_end0:
.L_simem_size_0:
called_computation.2_lowered:
.L_overlay_start_0:
0x88: {  	s2 =	sld [smem:$0x3FD9]  }
0x89: {  	s3 =	sld [smem:$0x3FFE];
	_ =	sdelay $0x1  }
0x8a: {  	s1 =	srdreg.scid  }
0x8b: {  	s0 =	sand.u32 $0x1, s1  }
0x8c: {  	s17 =	sshll.u32 s0, $0xA;
	s2 =	sadd.s32 s3, s2  }
0x8d: {  	s2 =	sadd.s32 s2, s17  }
0x8e: {  	[smem:$0x3FC5] =	sst s2  }
0x8f: {  	_ = 	snop  }
0x90: {  	s2 =	sld [smem:$0x3FD0];
	(tm) =	ssettm $0x1  }
0x91: {  	s18 =	sld [smem:$0x3FFB];
	_ =	sdelay $0x3  }
0x92: {  	_ =	strace s18  }
0x93: {  	s3 =	sld [smem:$0x3FFC];
	_ =	sdelay $0x3  }
0x94: {  	_ =	strace s3  }
0x95: {  	s3 =	sld [smem:$0x3FFD];
	_ =	sdelay $0x3  }
0x96: {  	_ =	strace s3  }
0x97: {  	_ =	strace $0x8FFFFFFF  }
0x98: {  	s19 =	sld [smem:$0x3FDB];
	_ =	sdelay $0x1  }
0x99: {  	s4 =	simm.s32 $_scs_section_size  }
0x9a: {  	s5 =	simm.s32 $_size__tile_overlayer_lowered;
	s6 =	simm.s32 $_tile_overlayer_lowered  }
0x9b: {  	s22 =	simm.s32 $0x1BFF;
	s21 =	sshll.u32 s6, $0x1;
	s3 =	sadd.s32 s4, s19  }
0x9c: {  	s7 =	simm.s32 $0x0;
	s20 =	sshll.u32 s5, $0x1;
	s5 =	sadd.s32 s21, s3  }
0x9d: {  	[timem:s7], [sflag:s22] =	dma.local [hbm:s5], s20  }
0x9e: {  	_ =	swait.ge [sflag:s22], s20  }
0x9f: {  	s4 =	ssub.s32 $0x0, s20;
	[sflag:s22] =	ssyncset.done $0x0  }
0xa0: {  	[sflag:s22] =	ssyncadd.s32 s4;
	_ =	sdelay $0x1  }
0xa1: {  	s23 =	simm.s32 $0x1B8B  }
0xa2: {  	_ =	swait.ge [sflag:s23], $0x1  }
0xa3: {  	[sflag:s23] =	ssyncset.done $0x0  }
0xa4: {  	s25 =	simm.s32 $0x1B8E;
	s24 =	sld [smem:$0x3FFE];
	[sflag:s23] =	ssyncadd.s32 $0xFFFFFFFF  }
0xa5: {  	s26 =	simm.s32 $execute0_lowered;
	[smem:$0x3FD2] =	sst s25  }
0xa6: {  	s5 =	sshll.u32 s26, $0x1;
	_ =	strace $0x8000004C;
	[dreg:$0x1] =	wrdreg $0xFFFFFFFF  }
0xa7: {  	s28 =	simm.s32 $_size_execute0_lowered;
	s3 =	sadd.s32 s3, s5;
	[dreg:$0x0] =	wrdreg $0x0  }
0xa8: {  	s5 =	sshll.u32 s28, $0x1;
	[dreg:$0x2] =	wrdreg s3  }
0xa9: {  	[dreg:$0x3] =	wrdreg s5  }
0xaa: {  	[dreg:$0x4] =	wrdreg $0xC0  }
0xab: {  	_ =	task [dreg:s7], $0x5FFFF  }
0xac: {  	[dreg:$0x1] =	wrdreg $0xFFFFFFFF  }
0xad: {  	[dreg:$0x0] =	wrdreg $0x60  }
0xae: {  	[dreg:$0x2] =	wrdreg s24  }
0xaf: {  	[dreg:$0x3] =	wrdreg s2  }
0xb0: {  	[dreg:$0x4] =	wrdreg $0x9  }
0xb1: {  	_ =	task.clear_ibuf [dreg:s7], $0x5FFFF;
	_ =	strace $0x9000004C  }
0xb2: {  	s29 =	simm.s32 $0x9;
	_ =	strace $0x8000004E  }
0xb3: {  	_ =	swait.ge [sflag:s29], $0x1  }
0xb4: {  	[sflag:s29] =	ssyncadd.s32 $0xFFFFFFFF  }
0xb5: {  	_ =	strace $0x9000004E  }
0xb6: {  	_ =	sfence  }
0xb7: {  	s30 =	sld [smem:$0x0];
	_ =	sdelay $0x2  }
0xb8: {  	s31 =	sshll.u32 s1, $0xD;
	s1 =	sshrl.u32 s1, $0x2  }
0xb9: {  	s3 =	sand.u32 $0x4000, s31;
	s1 =	sadd.s32 s1, s30  }
0xba: {  	s0 =	sor.u32 s3, s0;
	s1 =	sshll.u32 s1, $0x11  }
0xbb: {  	s0 =	sor.u32 s1, s0  }
0xbc: {  	s0 =	sadd.s32 $0x8F2B, s0  }
0xbd: {  	[sflag:s0] =	ssyncadd.remote.s32 $0x1  }
0xbe: {  	_ =	sfence.sel $0xFFFF  }
0xbf: {  	[dreg:$0x0] =	wrdreg $0xFFFFFFFF;
	(pc) =	sbr.abs _section_cstart, $3  }
0xc0: {  	[dreg:$0x1] =	wrdreg $0xFFFFFFFF  }
0xc1: {  	_ =	task.clear_ibuf [dreg:s7], $0x2FFFF;
	_ =	strace $0x9FFFFFFF  }
0xc2: {  	(tm) =	ssettm $0x7FFFFFFF  }
0xc3: {  	_ =	shalt  }
tec
execute0_lowered:
.L_overlay_start_1:
0x0: {  	(tag) =	ssettag $0x1  }
0x1: {  	s2 =	rddreg [dreg:$0x0]  }
0x2: {  	s3 =	rddreg [dreg:$0x1]  }
0x3: {  	s0 =	rddreg [dreg:$0x2];
	s1 =	srdreg.scid;
	_ =	strace $0x8000004D  }
0x4: {  	s4 =	simm.s32 $0x1;
	s9 =	simm.s32 $0x3;
	s5 =	sshll.u32 s1, $0x4  }
.Ltmp0:
0x5: {  	s1 =	stileid.u32;
	s5 =	sand.u32 $0x10, s5;
	(pc) =	sbr.rel .LBB2_1-.Ltmp0, $4  }
0x6: {  	s12 =	simm.s32 $0x0;
	s10 =	simm.s32 $0x0;
	s6 =	sor.u32 s1, s5  }
0x7: {  	[sflag:s4] =	ssyncpa.u1 $0x0;
	s5 =	simm.s32 $0x2;
	s6 =	sshll.u32 s6, $0x7  }
0x8: {  	s7 =	sadd.s32 $0x3F0000, s2;
	[sflag:s5] =	ssyncpa.u1 $0x0;
	s8 =	sadd.s32 $0x80, s6  }
0x9: {  	vm0 =	vmmov $0xff;
	vm1 =	vcmask $0x3F20;
	[sflag:s9] =	ssyncpa.u1 $0x0;
	s9 =	simm.s32 $0x80;
	s11 =	smov.u32 s6  }
.LBB2_9:
0xa: {  	p0 =	seq.s32 s10, $0x2  }
.Ltmp1:
0xb: {  	_ = 	snop;
	(pc) =	sbr.rel @p0 .LBB2_11-.Ltmp1, $1  }
0xc: {  	_ =	sdelay $0x3  }
.LBB2_10:
0xd: {  	s12 =	sadd.s32 $0x80, s11  }
0xe: {  	s13 =	smov.u32 s6;
	p0 =	slt.s32 s12, s8  }
0xf: {  	s13 =	smov.u32 @p0 s12  }
0x10: {  	s10 =	sadd.s32 $0x1, s10;
	s12 =	smov.u32 s11;
	s11 =	smov.u32 s13  }
.LBB2_1:
0x11: {  	p0 =	sne.s32 s10, $0x0  }
.Ltmp2:
0x12: {  	_ = 	snop;
	(pc) =	sbr.rel @!p0 .LBB2_2-.Ltmp2, $1  }
0x13: {  	_ =	sdelay $0x3  }
0x14: {  	s13 =	sand.u32 $0x1, s10  }
0x15: {  	p0 =	seq.s32 s13, $0x0  }
.Ltmp3:
0x16: {  	_ = 	snop;
	(pc) =	sbr.rel @p0 .LBB2_9-.Ltmp3, $1  }
0x17: {  	_ =	sdelay $0x3  }
0x18: {  	_ =	swait.ge [sflag:s5], $0x80  }
0x19: {  	[sflag:s5] =	ssyncset.done $0x0  }
0x1a: {  	s13 =	simm.s32 $0x0;
	[sflag:s5] =	ssyncadd.s32 $0xFFFFFF80  }
0x1b: {  	v0 =	vld.msk [tilespmem:s13+$0x80 ss:$0x1], $0xffff;
	_ =	sdelay $0x4  }
0x1c: {  	v1 =	vand.u32 $0xF, v0;
	v2 =	vshll.u32 v0, $0x3  }
0x1d: {  	vm2 =	veq.s32 v0, $0x80000000;
	v0 =	vmul.u32 $0xA8000, v1;
	v1 =	vand.u32 $0xFFF80, v2  }
0x1e: {  	v1 =	vsel vm2, $0xFFFFFF80, v1  }
0x1f: {  	v0 =	vsel vm2, $0xFFF58000, v0;
	v2 =	vand.u32 $0xFFFFFC00, v1  }
0x20: {  	v1 =	vand.u32 $0x380, v1;
	v0 =	vadd.s32 v0, v2  }
0x21: {  	v0 =	vor.u32 v1, v0  }
0x22: {  	v0 =	vshrl.u32 v0, $0x3;
	_ =	sdelay $0x3  }
0x23: {  	s13 =	simm.s32 $0x4100  }
0x24: {  	[tilespmem:s13], [sflag:$0x1] =	stream.indirect_vreg.gather [hbm:s7], $0x80, v0, vm0, $0x38;
	[tilespmem:$0x8100] =	vst v63  }
0x25: {  	s14 =	simm.s32 $0x4500;
	s31 =	simm.s32 $0x10  }
0x26: {  	[tilespmem:s14], [sflag:$0x1] =	stream.indirect_vreg.gather [hbm:s7], $0x80, v0, vm1, $0x38;
	[tilespmem:$0x8100] =	vst v63  }
0x27: {  	s14 =	simm.s32 $0x80;
	v0 =	vld.msk [tilespmem:s31+$0x80 ss:$0x1], $0xffff  }
.LBB2_5:
0x28: {  	p0 =	sne.s32 s14, $0x1C0;
	_ =	sdelay $0x4  }
0x29: {  	v1 =	vand.u32 $0xF, v0;
	v2 =	vshll.u32 v0, $0x3  }
0x2a: {  	vm2 =	veq.s32 v0, $0x80000000;
	v0 =	vmul.u32 $0xA8000, v1;
	v1 =	vand.u32 $0xFFF80, v2  }
0x2b: {  	v1 =	vsel vm2, $0xFFFFFF80, v1  }
0x2c: {  	v0 =	vsel vm2, $0xFFF58000, v0;
	v2 =	vand.u32 $0xFFFFFC00, v1  }
0x2d: {  	v1 =	vand.u32 $0x380, v1;
	v0 =	vadd.s32 v0, v2  }
0x2e: {  	v0 =	vor.u32 v1, v0  }
0x2f: {  	v0 =	vshrl.u32 v0, $0x3;
	_ =	sdelay $0x3  }
.Ltmp4:
0x30: {  	s13 =	sadd.s32 $0x800, s13;
	(pc) =	sbr.rel @p0 .LBB2_5-.Ltmp4, $4  }
0x31: {  	[tilespmem:s13], [sflag:$0x1] =	stream.indirect_vreg.gather [hbm:s7], $0x80, v0, vm0, $0x38;
	[tilespmem:$0x8100] =	vst v63  }
0x32: {  	s15 =	sshra.s32 s14, $0x2;
	s16 =	sadd.s32 $0x400, s13  }
0x33: {  	[tilespmem:s16], [sflag:$0x1] =	stream.indirect_vreg.gather [hbm:s7], $0x80, v0, vm1, $0x38;
	[tilespmem:$0x8100] =	vst v63  }
0x34: {  	s14 =	sadd.s32 $0x40, s14;
	v0 =	vld.msk [tilespmem:s15+$0x80 ss:$0x1], $0xffff  }
0x35: {  	_ =	sdelay $0x3  }
0x36: {  	v1 =	vand.u32 $0xF, v0;
	v2 =	vshll.u32 v0, $0x3  }
0x37: {  	vm2 =	veq.s32 v0, $0x80000000;
	v61 =	vmul.u32 $0xA8000, v1;
	v62 =	vand.u32 $0xFFF80, v2  }
0x38: {  	v1 =	vsel vm2, $0xFFFFFF80, v62  }
0x39: {  	v0 =	vsel vm2, $0xFFF58000, v61;
	v63 =	vand.u32 $0xFFFFFC00, v1  }
0x3a: {  	v1 =	vand.u32 $0x380, v1;
	v0 =	vadd.s32 v0, v63  }
0x3b: {  	v0 =	vor.u32 v1, v0  }
0x3c: {  	v0 =	vshrl.u32 v0, $0x3;
	_ =	sdelay $0x3  }
0x3d: {  	s13 =	sadd.s32 $0x800, s13  }
0x3e: {  	[tilespmem:s13], [sflag:$0x1] =	stream.indirect_vreg.gather [hbm:s7], $0x80, v0, vm0, $0x38;
	[tilespmem:$0x8100] =	vst v63  }
0x3f: {  	s13 =	sadd.s32 $0x400, s13  }
0x40: {  	[tilespmem:s13], [sflag:$0x1] =	stream.indirect_vreg.gather [hbm:s7], $0x80, v0, vm1, $0x38;
	[tilespmem:$0x8100] =	vst v63  }
0x41: {  	s12 =	sshll.u32 s12, $0x4;
	s14 =	simm.s32 $0x80;
	_ =	swait.ge [sflag:s4], $0x4000  }
0x42: {  	s15 =	simm.s32 $0x4500;
	s12 =	sadd.s32 s12, s2;
	[sflag:s4] =	ssyncset.done $0x0  }
0x43: {  	s16 =	sadd.s32 $0x0, s12;
	s13 =	simm.s32 $0x4100;
	[sflag:s4] =	ssyncadd.s32 $0xFFFFC000  }
.LBB2_7:
0x44: {  	[hbm:s16] =	stream.linear.scatter [tilespmem:s13], [sflag:$0x3], $0x400, $0x38;
	[tilespmem:$0x8100] =	vst v63  }
0x45: {  	s16 =	smov.u32 s14;
	s13 =	smov.u32 s15;
	p0 =	sne.s32 s14, $0x780  }
.Ltmp5:
0x46: {  	s14 =	sadd.s32 $0x80, s14;
	(pc) =	sbr.rel @p0 .LBB2_7-.Ltmp5, $2  }
0x47: {  	_ =	sdelay $0x2  }
0x48: {  	s15 =	sadd.s32 $0x400, s15;
	s16 =	sadd.s32 s16, s12  }
.Ltmp6:
0x49: {  	(pc) =	sbr.rel .LBB2_9-.Ltmp6, $2  }
0x4a: {  	_ =	sdelay $0x2  }
0x4b: {  	[hbm:s16] =	stream.linear.scatter [tilespmem:s13], [sflag:$0x3], $0x400, $0x38;
	[tilespmem:$0x8100] =	vst v63  }
.LBB2_2:
.Ltmp7:
0x4c: {  	(pc) =	sbr.rel .LBB2_10-.Ltmp7, $4  }
0x4d: {  	_ = 	snop  }
0x4e: {  	s12 =	sshrl.u32 s11, $0x3  }
0x4f: {  	s13 =	sand.u32 $0x7, s11;
	s12 =	sadd.s32 s3, s12  }
0x50: {  	[tilespmem:s9], [sflag:$0x2] =	stream.linear.gather [hbm4b:s12+s13], $0x80, $0x38;
	[tilespmem:$0x8100] =	vst v63  }
.LBB2_11:
0x51: {  	s2 =	simm.s32 $0x3  }
0x52: {  	_ =	swait.ge [sflag:s2], $0x4000  }
0x53: {  	[sflag:s2] =	ssyncset.done $0x0  }
0x54: {  	[sflag:s2] =	ssyncadd.s32 $0xFFFFC000  }
0x55: {  	_ =	sfence.sel $0x180000  }
0x56: {  	s3 =	simm.s32 $0x2;
	[bflag:$0x0] =	sbarrier.arrive $0xFFFF  }
0x57: {  	[sflag:s3] =	ssyncpa.u1 $0x1  }
0x58: {  	s31 =	simm.s32 $0x1;
	[sflag:s2] =	ssyncpa.u1 $0x1  }
0x59: {  	[sflag:s31] =	ssyncpa.u1 $0x1  }
0x5a: {  	p0 =	sne.s32 s1, $0x0;
	_ =	strace $0x9000004D  }
0x5b: {  	s0 =	sadd.s32 @!p0 $0x100000, s0;
	[bflag:$0x2] =	sbarrier.arrive $0xFFFF  }
0x5c: {  	[sflag:s0] =	ssyncadd.tile.s32 @!p0 $0x1;
	_ =	shalt  }
.Lfunc_end2:
_tile_overlayer_lowered:
.L_overlay_start_2:
0x5d: {  	(tag) =	ssettag $0x2  }
0x5e: {  	s0 =	rddreg [dreg:$0x0];
	s2 =	stileid.u32  }
0x5f: {  	s1 =	rddreg [dreg:$0x1];
	p0 =	sne.s32 s2, $0x0  }
0x60: {  	s3 =	rddreg [dreg:$0x2];
	[bflag:$0x3] =	sbarrier.arrive $0xFFFF;
	s2 =	simm.s32 @!p0 $0x1C01  }
0x61: {  	[timem:s3], [sflag:s2] =	dma.local @!p0 [hbm:s0], s1  }
0x62: {  	s0 =	simm.s32 @!p0 $0x1  }
0x63: {  	_ =	swait.ge @!p0 [sflag:s0], s1  }
0x64: {  	s1 =	ssub.s32 @!p0 $0x0, s1;
	[sflag:s0] =	ssyncset.done @!p0 $0x0  }
0x65: {  	[sflag:s0] =	ssyncadd.s32 @!p0 s1  }
0x66: {  	[bflag:$0x3] =	sbarrier.arrive $0xFFFF  }
0x67: {  	_ =	shalt  }

// kernel: gather_offload_async_start.3
scs
__scs_entry_jumppad:
0x0: {  	(pc) =	sbr.rel $0x88, $3  }
0x1: {  	(tag) =	ssettag $0x0;
	lr =	simm.s32 $0x1  }
0x2: {  	[smem:$0x3F9E] =	sst lr;
	_ =	strace $0xD0000000  }
0x3: {  	_ = 	snop  }
0x4: {  	_ = 	snop  }
0x5: {  	_ = 	snop  }
0x6: {  	_ = 	snop  }
0x7: {  	_ = 	snop  }
__scs_overlays_trampoline_lowered:
0x8: {  	[smem:$0x3FAD] =	sst s0  }
0x9: {  	[smem:$0x3FAE] =	sst s1  }
0xa: {  	[smem:$0x3FAF] =	sst s2  }
0xb: {  	[smem:$0x3FB0] =	sst s3  }
0xc: {  	[smem:$0x3FB1] =	sst s4  }
0xd: {  	[smem:$0x3FB2] =	sst s5  }
0xe: {  	[smem:$0x3FB3] =	sst s6  }
0xf: {  	[smem:$0x3FB4] =	sst s7  }
0x10: {  	[smem:$0x3FB5] =	sst s8  }
0x11: {  	[smem:$0x3FB6] =	sst s9;
	s0 =	simm.s32 @!p0 $0x0  }
0x12: {  	s1 =	sld [smem:$0x3F9C];
	s0 =	simm.s32 @p0 $0x1  }
0x13: {  	[smem:$0x3FB7] =	sst s0;
	s0 =	simm.s32 @!p1 $0x0  }
0x14: {  	s2 =	sld [smem:$0x3F9B];
	s0 =	simm.s32 @p1 $0x1  }
0x15: {  	[smem:$0x3FB8] =	sst s0;
	s0 =	simm.s32 @!p2 $0x0  }
0x16: {  	s3 =	sld [smem:$0x3FDB];
	s0 =	simm.s32 @p2 $0x1  }
0x17: {  	s4 =	simm.s32 $0x1BF5;
	[smem:$0x3FBA] =	sst s0  }
0x18: {  	s0 =	sld [smem:$0x3F9D];
	_ =	swait.ge [sflag:s4], $0x0  }
0x19: {  	s7 =	sld [smem:$0x3F9E]  }
0x1a: {  	s8 =	sadd.s32 $0xFFFFE003, lr  }
0x1b: {  	s9 =	sadd.s32 $0xFFFFFEF7, lr;
	s5 =	simm.s32 $0xFFFFFFFF;
	p2 =	slt.u32 s8, $0xFFFFF086  }
0x1c: {  	p1 =	slt.u32 s9, $0xF7A;
	s5 =	simm.s32 @!p2 $0x0  }
0x1d: {  	s5 =	simm.s32 @p1 $0x1;
	p0 =	seq.s32 s7, s2  }
0x1e: {  	s7 =	smul.u32 @!p0 $0xF7A, s2;
	p2 =	seq.s32 @!p0 s5, $0x0  }
0x1f: {  	s9 =	smul.u32 $0xF7A, s1;
	s8 =	simm.s32 @!p0 $0x1BF5;
	p2 =	por !p2, p0  }
0x20: {  	[sflag:s8] =	ssyncset.s32 @!p0 $0xFFFFF086;
	s6 =	sadd.s32 @!p0 s3, s7;
	s7 =	simm.s32 @!p0 $0x108  }
0x21: {  	s3 =	sadd.s32 s3, s9;
	s6 =	sadd.s32 @!p0 $0x88, s6;
	s7 =	simm.s32 @p2 $0x1082  }
0x22: {  	[simem:s7], [sflag:s8] =	dma.local @!p0 [hbm:s6], $0xF7A  }
0x23: {  	s9 =	sor.u32 $0xD0000000, s2;
	s6 =	simm.s32 $0x108;
	_ =	swait.ge @!p0 [sflag:s8], $0x0  }
0x24: {  	s3 =	sadd.s32 $0x88, s3;
	s6 =	simm.s32 @!p1 $0x1082;
	[sflag:s4] =	ssyncset.s32 $0xFFFFF086  }
0x25: {  	[simem:s6], [sflag:s4] =	dma.local [hbm:s3], $0xF7A  }
0x26: {  	[smem:$0x3F9E] =	sst s1;
	(tag) =	ssettag s2;
	_ =	strace s9  }
0x27: {  	s1 =	sld [smem:$0x3FAE]  }
0x28: {  	s2 =	sld [smem:$0x3FAF]  }
0x29: {  	s4 =	sld [smem:$0x3FB1]  }
0x2a: {  	p0 =	seq.s32 s5, $0x0;
	s5 =	sld [smem:$0x3FB2]  }
0x2b: {  	s6 =	sld [smem:$0x3FB3]  }
0x2c: {  	s7 =	sld [smem:$0x3FB4]  }
0x2d: {  	s3 =	simm.s32 $0x108;
	s8 =	sld [smem:$0x3FB5]  }
0x2e: {  	s3 =	simm.s32 @!p0 $0x1082;
	s9 =	sld [smem:$0x3FB6]  }
0x2f: {  	lr =	sadd.s32 s0, s3;
	s0 =	sld [smem:$0x3FAD]  }
0x30: {  	s3 =	sld [smem:$0x3FB0]  }
0x31: {  	[smem:$0x3FB9] =	sst s10  }
0x32: {  	s10 =	sld [smem:$0x3FB7];
	_ =	sdelay $0x3  }
0x33: {  	p0 =	seq.s32 s10, $0x1;
	s10 =	sld [smem:$0x3FB9];
	_ =	sdelay $0x3  }
0x34: {  	[smem:$0x3FB9] =	sst s10  }
0x35: {  	s10 =	sld [smem:$0x3FB8];
	_ =	sdelay $0x3  }
0x36: {  	p1 =	seq.s32 s10, $0x1;
	s10 =	sld [smem:$0x3FB9];
	_ =	sdelay $0x3  }
0x37: {  	[smem:$0x3FB9] =	sst s10  }
0x38: {  	s10 =	sld [smem:$0x3FBA]  }
0x39: {  	_ = 	snop;
	(pc) =	sbr.ind lr, $3  }
0x3a: {  	_ = 	snop  }
0x3b: {  	_ = 	snop  }
0x3c: {  	p2 =	seq.s32 s10, $0x1;
	s10 =	sld [smem:$0x3FB9]  }
0x3d: {  	_ =	shalt  }
0x3e: {  	_ =	shalt  }
0x3f: {  	_ =	shalt  }
0x40: {  	_ =	shalt  }
0x41: {  	_ =	shalt  }
0x42: {  	_ =	shalt  }
0x43: {  	_ =	shalt  }
0x44: {  	_ =	shalt  }
0x45: {  	_ =	shalt  }
0x46: {  	_ =	shalt  }
0x47: {  	_ =	shalt  }
0x48: {  	_ =	shalt  }
0x49: {  	_ =	shalt  }
0x4a: {  	_ =	shalt  }
0x4b: {  	_ =	shalt  }
0x4c: {  	_ =	shalt  }
0x4d: {  	_ =	shalt  }
0x4e: {  	_ =	shalt  }
0x4f: {  	_ =	shalt  }
0x50: {  	_ =	shalt  }
0x51: {  	_ =	shalt  }
0x52: {  	_ =	shalt  }
0x53: {  	_ =	shalt  }
0x54: {  	_ =	shalt  }
0x55: {  	_ =	shalt  }
0x56: {  	_ =	shalt  }
0x57: {  	_ =	shalt  }
0x58: {  	_ =	shalt  }
0x59: {  	_ =	shalt  }
0x5a: {  	_ =	shalt  }
0x5b: {  	_ =	shalt  }
0x5c: {  	_ =	shalt  }
0x5d: {  	_ =	shalt  }
0x5e: {  	_ =	shalt  }
0x5f: {  	_ =	shalt  }
0x60: {  	_ =	shalt  }
0x61: {  	_ =	shalt  }
0x62: {  	_ =	shalt  }
0x63: {  	_ =	shalt  }
0x64: {  	_ =	shalt  }
0x65: {  	_ =	shalt  }
0x66: {  	_ =	shalt  }
0x67: {  	_ =	shalt  }
0x68: {  	_ =	shalt  }
0x69: {  	_ =	shalt  }
0x6a: {  	_ =	shalt  }
0x6b: {  	_ =	shalt  }
0x6c: {  	_ =	shalt  }
0x6d: {  	_ =	shalt  }
0x6e: {  	_ =	shalt  }
0x6f: {  	_ =	shalt  }
0x70: {  	_ =	shalt  }
0x71: {  	_ =	shalt  }
0x72: {  	_ =	shalt  }
0x73: {  	_ =	shalt  }
0x74: {  	_ =	shalt  }
0x75: {  	_ =	shalt  }
0x76: {  	_ =	shalt  }
0x77: {  	_ =	shalt  }
0x78: {  	_ =	shalt  }
0x79: {  	_ =	shalt  }
0x7a: {  	_ =	shalt  }
0x7b: {  	_ =	shalt  }
0x7c: {  	_ =	shalt  }
0x7d: {  	_ =	shalt  }
0x7e: {  	_ =	shalt  }
0x7f: {  	_ =	shalt  }
0x80: {  	_ =	shalt  }
0x81: {  	_ =	shalt  }
0x82: {  	_ =	shalt  }
0x83: {  	_ =	shalt  }
0x84: {  	_ =	shalt  }
0x85: {  	_ =	shalt  }
0x86: {  	_ =	shalt  }
0x87: {  	_ =	shalt  }
.Lfunc_end0:
.L_simem_size_0:
called_computation.3_lowered:
.L_overlay_start_0:
0x88: {  	s2 =	sld [smem:$0x3FD9]  }
0x89: {  	s3 =	sld [smem:$0x3FFE];
	_ =	sdelay $0x1  }
0x8a: {  	s1 =	srdreg.scid  }
0x8b: {  	s0 =	sand.u32 $0x1, s1  }
0x8c: {  	s17 =	sshll.u32 s0, $0xA;
	s2 =	sadd.s32 s3, s2  }
0x8d: {  	s2 =	sadd.s32 s2, s17  }
0x8e: {  	[smem:$0x3FC5] =	sst s2  }
0x8f: {  	_ = 	snop  }
0x90: {  	s2 =	sld [smem:$0x3FD0];
	(tm) =	ssettm $0x1  }
0x91: {  	s18 =	sld [smem:$0x3FFB];
	_ =	sdelay $0x3  }
0x92: {  	_ =	strace s18  }
0x93: {  	s3 =	sld [smem:$0x3FFC];
	_ =	sdelay $0x3  }
0x94: {  	_ =	strace s3  }
0x95: {  	s3 =	sld [smem:$0x3FFD];
	_ =	sdelay $0x3  }
0x96: {  	_ =	strace s3  }
0x97: {  	_ =	strace $0x8FFFFFFF  }
0x98: {  	s19 =	sld [smem:$0x3FDB];
	_ =	sdelay $0x1  }
0x99: {  	s4 =	simm.s32 $_scs_section_size  }
0x9a: {  	s5 =	simm.s32 $_size__tile_overlayer_lowered;
	s6 =	simm.s32 $_tile_overlayer_lowered  }
0x9b: {  	s22 =	simm.s32 $0x1BFF;
	s21 =	sshll.u32 s6, $0x1;
	s3 =	sadd.s32 s4, s19  }
0x9c: {  	s7 =	simm.s32 $0x0;
	s20 =	sshll.u32 s5, $0x1;
	s5 =	sadd.s32 s21, s3  }
0x9d: {  	[timem:s7], [sflag:s22] =	dma.local [hbm:s5], s20  }
0x9e: {  	_ =	swait.ge [sflag:s22], s20  }
0x9f: {  	s4 =	ssub.s32 $0x0, s20;
	[sflag:s22] =	ssyncset.done $0x0  }
0xa0: {  	[sflag:s22] =	ssyncadd.s32 s4;
	_ =	sdelay $0x1  }
0xa1: {  	s23 =	simm.s32 $0x1B8B  }
0xa2: {  	_ =	swait.ge [sflag:s23], $0x1  }
0xa3: {  	[sflag:s23] =	ssyncset.done $0x0  }
0xa4: {  	s25 =	simm.s32 $0x1B8E;
	s24 =	sld [smem:$0x3FFE];
	[sflag:s23] =	ssyncadd.s32 $0xFFFFFFFF  }
0xa5: {  	s26 =	simm.s32 $execute0_lowered;
	[smem:$0x3FD2] =	sst s25  }
0xa6: {  	s5 =	sshll.u32 s26, $0x1;
	_ =	strace $0x8000004F;
	[dreg:$0x1] =	wrdreg $0xFFFFFFFF  }
0xa7: {  	s28 =	simm.s32 $_size_execute0_lowered;
	s3 =	sadd.s32 s3, s5;
	[dreg:$0x0] =	wrdreg $0x0  }
0xa8: {  	s5 =	sshll.u32 s28, $0x1;
	[dreg:$0x2] =	wrdreg s3  }
0xa9: {  	[dreg:$0x3] =	wrdreg s5  }
0xaa: {  	[dreg:$0x4] =	wrdreg $0xC0  }
0xab: {  	_ =	task [dreg:s7], $0x5FFFF  }
0xac: {  	[dreg:$0x1] =	wrdreg $0xFFFFFFFF  }
0xad: {  	[dreg:$0x0] =	wrdreg $0x60  }
0xae: {  	[dreg:$0x2] =	wrdreg s24  }
0xaf: {  	[dreg:$0x3] =	wrdreg s2  }
0xb0: {  	[dreg:$0x4] =	wrdreg $0x9  }
0xb1: {  	_ =	task.clear_ibuf [dreg:s7], $0x5FFFF;
	_ =	strace $0x9000004F  }
0xb2: {  	s29 =	simm.s32 $0x9;
	_ =	strace $0x80000051  }
0xb3: {  	_ =	swait.ge [sflag:s29], $0x1  }
0xb4: {  	[sflag:s29] =	ssyncadd.s32 $0xFFFFFFFF  }
0xb5: {  	_ =	strace $0x90000051  }
0xb6: {  	_ =	sfence  }
0xb7: {  	s30 =	sld [smem:$0x0];
	_ =	sdelay $0x2  }
0xb8: {  	s31 =	sshll.u32 s1, $0xD;
	s1 =	sshrl.u32 s1, $0x2  }
0xb9: {  	s3 =	sand.u32 $0x4000, s31;
	s1 =	sadd.s32 s1, s30  }
0xba: {  	s0 =	sor.u32 s3, s0;
	s1 =	sshll.u32 s1, $0x11  }
0xbb: {  	s0 =	sor.u32 s1, s0  }
0xbc: {  	s0 =	sadd.s32 $0x8F2B, s0  }
0xbd: {  	[sflag:s0] =	ssyncadd.remote.s32 $0x1  }
0xbe: {  	_ =	sfence.sel $0xFFFF  }
0xbf: {  	[dreg:$0x0] =	wrdreg $0xFFFFFFFF;
	(pc) =	sbr.abs _section_cstart, $3  }
0xc0: {  	[dreg:$0x1] =	wrdreg $0xFFFFFFFF  }
0xc1: {  	_ =	task.clear_ibuf [dreg:s7], $0x2FFFF;
	_ =	strace $0x9FFFFFFF  }
0xc2: {  	(tm) =	ssettm $0x7FFFFFFF  }
0xc3: {  	_ =	shalt  }
tec
execute0_lowered:
.L_overlay_start_1:
0x0: {  	(tag) =	ssettag $0x1  }
0x1: {  	s0 =	srdreg.scid  }
0x2: {  	s1 =	sshll.u32 s0, $0x4  }
0x3: {  	s0 =	stileid.u32;
	s1 =	sand.u32 $0x10, s1  }
0x4: {  	s1 =	sor.u32 s0, s1  }
0x5: {  	s3 =	rddreg [dreg:$0x0];
	s2 =	smin.u32 s1, $0x12  }
0x6: {  	p0 =	slt.u32 s1, $0x12;
	s2 =	sadd.s32 s1, s2;
	s1 =	simm.s32 $0x40  }
0x7: {  	s4 =	rddreg [dreg:$0x1];
	s2 =	sshll.u32 s2, $0x5;
	s1 =	simm.s32 @!p0 $0x20  }
0x8: {  	s6 =	simm.s32 $0x1;
	s7 =	simm.s32 $0x2;
	s1 =	sadd.s32 s1, s2  }
0x9: {  	s10 =	simm.s32 $0x3;
	s13 =	simm.s32 $0x0;
	s5 =	smin.u32 s1, $0x640  }
.Ltmp0:
0xa: {  	s12 =	simm.s32 $0x0;
	s8 =	ssub.s32 s5, s2;
	(pc) =	sbr.rel .LBB2_1-.Ltmp0, $4  }
0xb: {  	s1 =	rddreg [dreg:$0x2];
	_ =	strace $0x80000050;
	p0 =	sgt.s32 s8, $0x0  }
0xc: {  	s9 =	sadd.s32 $0x10000, s3;
	[sflag:s6] =	ssyncpa.u1 $0x0;
	s8 =	simm.s32 @!p0 $0x0  }
0xd: {  	s11 =	smov.u32 s2;
	[sflag:s7] =	ssyncpa.u1 $0x0;
	s8 =	sshrl.u32 s8, $0x5  }
0xe: {  	vm0 =	vmmov $0xff;
	vm1 =	vcmask $0x3F20;
	[sflag:s10] =	ssyncpa.u1 $0x0;
	p0 =	por $0x0, $0x0;
	s10 =	sadd.s32 $0x1, s8  }
.LBB2_6:
0xf: {  	[hbm:s17] =	stream.linear.scatter [tilespmem:s14], [sflag:$0x3], $0x400, $0x38;
	[tilespmem:$0x2040] =	vst v63  }
.LBB2_7:
0x10: {  	s13 =	sadd.s32 $0x20, s11  }
0x11: {  	s15 =	smov.u32 s2;
	p2 =	slt.s32 s13, s5  }
0x12: {  	s15 =	smov.u32 @p2 s13;
	p2 =	sne.s32 s12, s10  }
.Ltmp1:
0x13: {  	p1 =	slt.u32 s12, $0x2;
	(pc) =	sbr.rel @!p2 .LBB2_8-.Ltmp1, $4  }
0x14: {  	s14 =	simm.s32 @!p1 $0x3  }
0x15: {  	s16 =	sadd.s32 $0x1, s12;
	_ =	swait.ge @!p1 [sflag:s14], $0x1000  }
0x16: {  	p0 =	por !p0, !p0;
	s13 =	smov.u32 s11;
	[sflag:s14] =	ssyncset.done @!p1 $0x0  }
0x17: {  	s12 =	smov.u32 s16;
	s11 =	smov.u32 s15;
	[sflag:s14] =	ssyncadd.s32 @!p1 $0xFFFFF000  }
.LBB2_1:
0x18: {  	p1 =	sge.u32 s12, s8  }
0x19: {  	s14 =	sxor.u32 @!p1 $0xFFFFFFFF, s12  }
0x1a: {  	s31 =	sadd.s32 $0xFFFFFFFF, s12;
	s15 =	sshrl.u32 @!p1 s11, $0x3;
	s14 =	sshll.u32 @!p1 s14, $0x5  }
0x1b: {  	s16 =	sand.u32 @!p1 $0x7, s11;
	s15 =	sadd.s32 @!p1 s4, s15;
	s14 =	sand.u32 @!p1 $0x20, s14  }
0x1c: {  	[tilespmem:s14], [sflag:$0x2] =	stream.linear.gather @!p1 [hbm4b:s15+s16], $0x20, $0x38;
	[tilespmem:$0x2040] =	vst v63  }
0x1d: {  	p1 =	sge.u32 s31, s8  }
.Ltmp2:
0x1e: {  	_ = 	snop;
	(pc) =	sbr.rel @p1 .LBB2_7-.Ltmp2, $1  }
0x1f: {  	_ =	sdelay $0x3  }
0x20: {  	s14 =	simm.s32 $0x1  }
0x21: {  	_ =	swait.ge [sflag:s7], $0x20;
	s16 =	sand.u32 $0x1, s12;
	s17 =	simm.s32 $0x0  }
0x22: {  	p1 =	por $0x1, $0x1;
	s14 =	simm.s32 @!p0 $0x0;
	[sflag:s7] =	ssyncset.done $0x0  }
0x23: {  	s15 =	sshll.u32 s16, $0x5;
	s16 =	sshll.u32 s16, $0xC;
	s14 =	sshll.u32 s14, $0xC  }
0x24: {  	[sflag:s7] =	ssyncadd.s32 $0xFFFFFFE0;
	s16 =	sor.u32 $0x40, s16;
	s14 =	sor.u32 $0x40, s14  }
.LBB2_3:
0x25: {  	s18 =	sshll.u32 s17, $0x4  }
0x26: {  	s18 =	sand.u32 $0x3FFFFFF0, s18  }
0x27: {  	s18 =	sadd.s32 s18, s15  }
0x28: {  	v0 =	vld.msk [tilespmem:s18+$0x0 ss:$0x1], $0xffff;
	_ =	sdelay $0x4  }
0x29: {  	v1 =	vshll.u32 v0, $0x3  }
0x2a: {  	vm2 =	veq.s32 v0, $0x80000000;
	v0 =	vshll.u32 v0, $0xF;
	v1 =	vand.u32 $0x7F80, v1  }
0x2b: {  	v0 =	vand.u32 $0x78000, v0;
	v1 =	vsel vm2, $0xFFFFFF80, v1  }
0x2c: {  	v0 =	vsel vm2, $0xFFFF8000, v0;
	v2 =	vand.u32 $0xFFFFFC00, v1  }
0x2d: {  	v1 =	vand.u32 $0x380, v1;
	v0 =	vadd.s32 v0, v2  }
0x2e: {  	v0 =	vor.u32 v1, v0  }
0x2f: {  	v0 =	vshrl.u32 v0, $0x3;
	_ =	sdelay $0x1  }
0x30: {  	s31 =	sshll.u32 s17, $0xB  }
0x31: {  	p2 =	por p1, p1;
	s17 =	sand.u32 $0x3FFFF800, s31  }
.Ltmp3:
0x32: {  	s17 =	sadd.s32 s17, s16;
	(pc) =	sbr.rel @p2 .LBB2_3-.Ltmp3, $4  }
0x33: {  	[tilespmem:s17], [sflag:$0x1] =	stream.indirect_vreg.gather [hbm:s3], $0x80, v0, vm0, $0x38;
	[tilespmem:$0x2040] =	vst v63  }
0x34: {  	s17 =	sadd.s32 $0x400, s17  }
0x35: {  	[tilespmem:s17], [sflag:$0x1] =	stream.indirect_vreg.gather [hbm:s3], $0x80, v0, vm1, $0x38;
	[tilespmem:$0x2040] =	vst v63  }
0x36: {  	p1 =	por $0x0, $0x0;
	s17 =	simm.s32 $0x1  }
0x37: {  	_ =	swait.ge [sflag:s6], $0x1000;
	s13 =	sshll.u32 s13, $0x4  }
0x38: {  	s15 =	simm.s32 $0x80;
	[sflag:s6] =	ssyncset.done $0x0;
	s13 =	sadd.s32 s13, s9  }
0x39: {  	s16 =	sadd.s32 $0x400, s14;
	[sflag:s6] =	ssyncadd.s32 $0xFFFFF000;
	s17 =	sadd.s32 $0x0, s13  }
.LBB2_5:
0x3a: {  	[hbm:s17] =	stream.linear.scatter [tilespmem:s14], [sflag:$0x3], $0x400, $0x38;
	[tilespmem:$0x2040] =	vst v63  }
0x3b: {  	s17 =	smov.u32 s15;
	s14 =	smov.u32 s16;
	p1 =	sne.s32 s15, $0x180  }
.Ltmp4:
0x3c: {  	s15 =	sadd.s32 $0x80, s15;
	(pc) =	sbr.rel @p1 .LBB2_5-.Ltmp4, $2  }
0x3d: {  	_ =	sdelay $0x2  }
0x3e: {  	s16 =	sadd.s32 $0x400, s16;
	s17 =	sadd.s32 s17, s13  }
.Ltmp5:
0x3f: {  	_ = 	snop;
	(pc) =	sbr.rel .LBB2_6-.Ltmp5, $1  }
0x40: {  	_ =	sdelay $0x3  }
.LBB2_8:
0x41: {  	_ =	sfence.sel $0x180000  }
0x42: {  	s2 =	simm.s32 $0x2;
	[bflag:$0x0] =	sbarrier.arrive $0xFFFF  }
0x43: {  	s30 =	simm.s32 $0x3;
	[sflag:s2] =	ssyncpa.u1 $0x1  }
0x44: {  	s31 =	simm.s32 $0x1;
	[sflag:s30] =	ssyncpa.u1 $0x1  }
0x45: {  	[sflag:s31] =	ssyncpa.u1 $0x1  }
0x46: {  	p0 =	sne.s32 s0, $0x0;
	_ =	strace $0x90000050  }
0x47: {  	s0 =	sadd.s32 @!p0 $0x100000, s1;
	[bflag:$0x2] =	sbarrier.arrive $0xFFFF  }
0x48: {  	[sflag:s0] =	ssyncadd.tile.s32 @!p0 $0x1;
	_ =	shalt  }
.Lfunc_end2:
_tile_overlayer_lowered:
.L_overlay_start_2:
0x49: {  	(tag) =	ssettag $0x2  }
0x4a: {  	s0 =	rddreg [dreg:$0x0];
	s2 =	stileid.u32  }
0x4b: {  	s1 =	rddreg [dreg:$0x1];
	p0 =	sne.s32 s2, $0x0  }
0x4c: {  	s3 =	rddreg [dreg:$0x2];
	[bflag:$0x3] =	sbarrier.arrive $0xFFFF;
	s2 =	simm.s32 @!p0 $0x1C01  }
0x4d: {  	[timem:s3], [sflag:s2] =	dma.local @!p0 [hbm:s0], s1  }
0x4e: {  	s0 =	simm.s32 @!p0 $0x1  }
0x4f: {  	_ =	swait.ge @!p0 [sflag:s0], s1  }
0x50: {  	s1 =	ssub.s32 @!p0 $0x0, s1;
	[sflag:s0] =	ssyncset.done @!p0 $0x0  }
0x51: {  	[sflag:s0] =	ssyncadd.s32 @!p0 s1  }
0x52: {  	[bflag:$0x3] =	sbarrier.arrive $0xFFFF  }
0x53: {  	_ =	shalt  }

// kernel: gather_offload_async_start
scs
__scs_entry_jumppad:
0x0: {  	(pc) =	sbr.rel $0x88, $3  }
0x1: {  	(tag) =	ssettag $0x0;
	lr =	simm.s32 $0x1  }
0x2: {  	[smem:$0x3F9E] =	sst lr;
	_ =	strace $0xD0000000  }
0x3: {  	_ = 	snop  }
0x4: {  	_ = 	snop  }
0x5: {  	_ = 	snop  }
0x6: {  	_ = 	snop  }
0x7: {  	_ = 	snop  }
__scs_overlays_trampoline_lowered:
0x8: {  	[smem:$0x3FAD] =	sst s0  }
0x9: {  	[smem:$0x3FAE] =	sst s1  }
0xa: {  	[smem:$0x3FAF] =	sst s2  }
0xb: {  	[smem:$0x3FB0] =	sst s3  }
0xc: {  	[smem:$0x3FB1] =	sst s4  }
0xd: {  	[smem:$0x3FB2] =	sst s5  }
0xe: {  	[smem:$0x3FB3] =	sst s6  }
0xf: {  	[smem:$0x3FB4] =	sst s7  }
0x10: {  	[smem:$0x3FB5] =	sst s8  }
0x11: {  	[smem:$0x3FB6] =	sst s9;
	s0 =	simm.s32 @!p0 $0x0  }
0x12: {  	s1 =	sld [smem:$0x3F9C];
	s0 =	simm.s32 @p0 $0x1  }
0x13: {  	[smem:$0x3FB7] =	sst s0;
	s0 =	simm.s32 @!p1 $0x0  }
0x14: {  	s2 =	sld [smem:$0x3F9B];
	s0 =	simm.s32 @p1 $0x1  }
0x15: {  	[smem:$0x3FB8] =	sst s0;
	s0 =	simm.s32 @!p2 $0x0  }
0x16: {  	s3 =	sld [smem:$0x3FDB];
	s0 =	simm.s32 @p2 $0x1  }
0x17: {  	s4 =	simm.s32 $0x1BF5;
	[smem:$0x3FBA] =	sst s0  }
0x18: {  	s0 =	sld [smem:$0x3F9D];
	_ =	swait.ge [sflag:s4], $0x0  }
0x19: {  	s7 =	sld [smem:$0x3F9E]  }
0x1a: {  	s8 =	sadd.s32 $0xFFFFE003, lr  }
0x1b: {  	s9 =	sadd.s32 $0xFFFFFEF7, lr;
	s5 =	simm.s32 $0xFFFFFFFF;
	p2 =	slt.u32 s8, $0xFFFFF086  }
0x1c: {  	p1 =	slt.u32 s9, $0xF7A;
	s5 =	simm.s32 @!p2 $0x0  }
0x1d: {  	s5 =	simm.s32 @p1 $0x1;
	p0 =	seq.s32 s7, s2  }
0x1e: {  	s7 =	smul.u32 @!p0 $0xF7A, s2;
	p2 =	seq.s32 @!p0 s5, $0x0  }
0x1f: {  	s9 =	smul.u32 $0xF7A, s1;
	s8 =	simm.s32 @!p0 $0x1BF5;
	p2 =	por !p2, p0  }
0x20: {  	[sflag:s8] =	ssyncset.s32 @!p0 $0xFFFFF086;
	s6 =	sadd.s32 @!p0 s3, s7;
	s7 =	simm.s32 @!p0 $0x108  }
0x21: {  	s3 =	sadd.s32 s3, s9;
	s6 =	sadd.s32 @!p0 $0x88, s6;
	s7 =	simm.s32 @p2 $0x1082  }
0x22: {  	[simem:s7], [sflag:s8] =	dma.local @!p0 [hbm:s6], $0xF7A  }
0x23: {  	s9 =	sor.u32 $0xD0000000, s2;
	s6 =	simm.s32 $0x108;
	_ =	swait.ge @!p0 [sflag:s8], $0x0  }
0x24: {  	s3 =	sadd.s32 $0x88, s3;
	s6 =	simm.s32 @!p1 $0x1082;
	[sflag:s4] =	ssyncset.s32 $0xFFFFF086  }
0x25: {  	[simem:s6], [sflag:s4] =	dma.local [hbm:s3], $0xF7A  }
0x26: {  	[smem:$0x3F9E] =	sst s1;
	(tag) =	ssettag s2;
	_ =	strace s9  }
0x27: {  	s1 =	sld [smem:$0x3FAE]  }
0x28: {  	s2 =	sld [smem:$0x3FAF]  }
0x29: {  	s4 =	sld [smem:$0x3FB1]  }
0x2a: {  	p0 =	seq.s32 s5, $0x0;
	s5 =	sld [smem:$0x3FB2]  }
0x2b: {  	s6 =	sld [smem:$0x3FB3]  }
0x2c: {  	s7 =	sld [smem:$0x3FB4]  }
0x2d: {  	s3 =	simm.s32 $0x108;
	s8 =	sld [smem:$0x3FB5]  }
0x2e: {  	s3 =	simm.s32 @!p0 $0x1082;
	s9 =	sld [smem:$0x3FB6]  }
0x2f: {  	lr =	sadd.s32 s0, s3;
	s0 =	sld [smem:$0x3FAD]  }
0x30: {  	s3 =	sld [smem:$0x3FB0]  }
0x31: {  	[smem:$0x3FB9] =	sst s10  }
0x32: {  	s10 =	sld [smem:$0x3FB7];
	_ =	sdelay $0x3  }
0x33: {  	p0 =	seq.s32 s10, $0x1;
	s10 =	sld [smem:$0x3FB9];
	_ =	sdelay $0x3  }
0x34: {  	[smem:$0x3FB9] =	sst s10  }
0x35: {  	s10 =	sld [smem:$0x3FB8];
	_ =	sdelay $0x3  }
0x36: {  	p1 =	seq.s32 s10, $0x1;
	s10 =	sld [smem:$0x3FB9];
	_ =	sdelay $0x3  }
0x37: {  	[smem:$0x3FB9] =	sst s10  }
0x38: {  	s10 =	sld [smem:$0x3FBA]  }
0x39: {  	_ = 	snop;
	(pc) =	sbr.ind lr, $3  }
0x3a: {  	_ = 	snop  }
0x3b: {  	_ = 	snop  }
0x3c: {  	p2 =	seq.s32 s10, $0x1;
	s10 =	sld [smem:$0x3FB9]  }
0x3d: {  	_ =	shalt  }
0x3e: {  	_ =	shalt  }
0x3f: {  	_ =	shalt  }
0x40: {  	_ =	shalt  }
0x41: {  	_ =	shalt  }
0x42: {  	_ =	shalt  }
0x43: {  	_ =	shalt  }
0x44: {  	_ =	shalt  }
0x45: {  	_ =	shalt  }
0x46: {  	_ =	shalt  }
0x47: {  	_ =	shalt  }
0x48: {  	_ =	shalt  }
0x49: {  	_ =	shalt  }
0x4a: {  	_ =	shalt  }
0x4b: {  	_ =	shalt  }
0x4c: {  	_ =	shalt  }
0x4d: {  	_ =	shalt  }
0x4e: {  	_ =	shalt  }
0x4f: {  	_ =	shalt  }
0x50: {  	_ =	shalt  }
0x51: {  	_ =	shalt  }
0x52: {  	_ =	shalt  }
0x53: {  	_ =	shalt  }
0x54: {  	_ =	shalt  }
0x55: {  	_ =	shalt  }
0x56: {  	_ =	shalt  }
0x57: {  	_ =	shalt  }
0x58: {  	_ =	shalt  }
0x59: {  	_ =	shalt  }
0x5a: {  	_ =	shalt  }
0x5b: {  	_ =	shalt  }
0x5c: {  	_ =	shalt  }
0x5d: {  	_ =	shalt  }
0x5e: {  	_ =	shalt  }
0x5f: {  	_ =	shalt  }
0x60: {  	_ =	shalt  }
0x61: {  	_ =	shalt  }
0x62: {  	_ =	shalt  }
0x63: {  	_ =	shalt  }
0x64: {  	_ =	shalt  }
0x65: {  	_ =	shalt  }
0x66: {  	_ =	shalt  }
0x67: {  	_ =	shalt  }
0x68: {  	_ =	shalt  }
0x69: {  	_ =	shalt  }
0x6a: {  	_ =	shalt  }
0x6b: {  	_ =	shalt  }
0x6c: {  	_ =	shalt  }
0x6d: {  	_ =	shalt  }
0x6e: {  	_ =	shalt  }
0x6f: {  	_ =	shalt  }
0x70: {  	_ =	shalt  }
0x71: {  	_ =	shalt  }
0x72: {  	_ =	shalt  }
0x73: {  	_ =	shalt  }
0x74: {  	_ =	shalt  }
0x75: {  	_ =	shalt  }
0x76: {  	_ =	shalt  }
0x77: {  	_ =	shalt  }
0x78: {  	_ =	shalt  }
0x79: {  	_ =	shalt  }
0x7a: {  	_ =	shalt  }
0x7b: {  	_ =	shalt  }
0x7c: {  	_ =	shalt  }
0x7d: {  	_ =	shalt  }
0x7e: {  	_ =	shalt  }
0x7f: {  	_ =	shalt  }
0x80: {  	_ =	shalt  }
0x81: {  	_ =	shalt  }
0x82: {  	_ =	shalt  }
0x83: {  	_ =	shalt  }
0x84: {  	_ =	shalt  }
0x85: {  	_ =	shalt  }
0x86: {  	_ =	shalt  }
0x87: {  	_ =	shalt  }
.Lfunc_end0:
.L_simem_size_0:
called_computation_lowered:
.L_overlay_start_0:
0x88: {  	s2 =	sld [smem:$0x3FD9]  }
0x89: {  	s3 =	sld [smem:$0x3FFE];
	_ =	sdelay $0x1  }
0x8a: {  	s1 =	srdreg.scid  }
0x8b: {  	s0 =	sand.u32 $0x1, s1  }
0x8c: {  	s16 =	sshll.u32 s0, $0xA;
	s2 =	sadd.s32 s3, s2  }
0x8d: {  	s2 =	sadd.s32 s2, s16  }
0x8e: {  	[smem:$0x3FC5] =	sst s2  }
0x8f: {  	_ = 	snop  }
0x90: {  	(tm) =	ssettm $0x1  }
0x91: {  	s17 =	sld [smem:$0x3FFB];
	_ =	sdelay $0x3  }
0x92: {  	_ =	strace s17  }
0x93: {  	s2 =	sld [smem:$0x3FFC];
	_ =	sdelay $0x3  }
0x94: {  	_ =	strace s2  }
0x95: {  	s2 =	sld [smem:$0x3FFD];
	_ =	sdelay $0x3  }
0x96: {  	_ =	strace s2  }
0x97: {  	_ =	strace $0x8FFFFFFF  }
0x98: {  	s18 =	sld [smem:$0x3FDB];
	_ =	sdelay $0x1  }
0x99: {  	s19 =	simm.s32 $_scs_section_size  }
0x9a: {  	s4 =	simm.s32 $_size__tile_overlayer_lowered;
	s5 =	simm.s32 $_tile_overlayer_lowered  }
0x9b: {  	s22 =	simm.s32 $0x1BFF;
	s21 =	sshll.u32 s5, $0x1;
	s2 =	sadd.s32 s19, s18  }
0x9c: {  	s6 =	simm.s32 $0x0;
	s20 =	sshll.u32 s4, $0x1;
	s4 =	sadd.s32 s21, s2  }
0x9d: {  	[timem:s6], [sflag:s22] =	dma.local [hbm:s4], s20  }
0x9e: {  	_ =	swait.ge [sflag:s22], s20  }
0x9f: {  	s3 =	ssub.s32 $0x0, s20;
	[sflag:s22] =	ssyncset.done $0x0  }
0xa0: {  	[sflag:s22] =	ssyncadd.s32 s3;
	_ =	sdelay $0x1  }
0xa1: {  	s23 =	simm.s32 $0x1B8B  }
0xa2: {  	_ =	swait.ge [sflag:s23], $0x1  }
0xa3: {  	[sflag:s23] =	ssyncset.done $0x0  }
0xa4: {  	s25 =	simm.s32 $0x1B8E;
	s24 =	sld [smem:$0x3FFE];
	[sflag:s23] =	ssyncadd.s32 $0xFFFFFFFF  }
0xa5: {  	s26 =	simm.s32 $execute0_lowered;
	[smem:$0x3FD2] =	sst s25  }
0xa6: {  	s4 =	sshll.u32 s26, $0x1;
	_ =	strace $0x80000046;
	[dreg:$0x1] =	wrdreg $0xFFFFFFFF  }
0xa7: {  	s28 =	simm.s32 $_size_execute0_lowered;
	s2 =	sadd.s32 s2, s4;
	[dreg:$0x0] =	wrdreg $0x0  }
0xa8: {  	s4 =	sshll.u32 s28, $0x1;
	[dreg:$0x2] =	wrdreg s2  }
0xa9: {  	[dreg:$0x3] =	wrdreg s4  }
0xaa: {  	[dreg:$0x4] =	wrdreg $0xC0  }
0xab: {  	_ =	task [dreg:s6], $0x5FFFF  }
0xac: {  	[dreg:$0x1] =	wrdreg $0xFFFFFFFF  }
0xad: {  	[dreg:$0x0] =	wrdreg $0x60  }
0xae: {  	[dreg:$0x2] =	wrdreg s24  }
0xaf: {  	[dreg:$0x3] =	wrdreg $0x9  }
0xb0: {  	_ =	task.clear_ibuf [dreg:s6], $0x4FFFF;
	_ =	strace $0x90000046  }
0xb1: {  	s29 =	simm.s32 $0x9;
	_ =	strace $0x80000048  }
0xb2: {  	_ =	swait.ge [sflag:s29], $0x1  }
0xb3: {  	[sflag:s29] =	ssyncadd.s32 $0xFFFFFFFF  }
0xb4: {  	_ =	strace $0x90000048  }
0xb5: {  	_ =	sfence  }
0xb6: {  	s30 =	sld [smem:$0x0];
	_ =	sdelay $0x2  }
0xb7: {  	s31 =	sshll.u32 s1, $0xD;
	s1 =	sshrl.u32 s1, $0x2  }
0xb8: {  	s3 =	sand.u32 $0x4000, s31;
	s1 =	sadd.s32 s1, s30  }
0xb9: {  	s0 =	sor.u32 s3, s0;
	s1 =	sshll.u32 s1, $0x11  }
0xba: {  	s0 =	sor.u32 s1, s0  }
0xbb: {  	s0 =	sadd.s32 $0x8F2B, s0  }
0xbc: {  	[sflag:s0] =	ssyncadd.remote.s32 $0x1  }
0xbd: {  	_ =	sfence.sel $0xFFFF  }
0xbe: {  	[dreg:$0x0] =	wrdreg $0xFFFFFFFF;
	(pc) =	sbr.abs _section_cstart, $3  }
0xbf: {  	[dreg:$0x1] =	wrdreg $0xFFFFFFFF  }
0xc0: {  	_ =	task.clear_ibuf [dreg:s6], $0x2FFFF;
	_ =	strace $0x9FFFFFFF  }
0xc1: {  	(tm) =	ssettm $0x7FFFFFFF  }
tec
execute0_lowered:
.L_overlay_start_1:
0x0: {  	(tag) =	ssettag $0x1  }
0x1: {  	s2 =	rddreg [dreg:$0x0]  }
0x2: {  	s0 =	rddreg [dreg:$0x1]  }
0x3: {  	s1 =	srdreg.scid;
	_ =	strace $0x80000047;
	s4 =	simm.s32 $0x1  }
0x4: {  	s9 =	simm.s32 $0x3;
	s12 =	simm.s32 $0x0;
	s5 =	sshll.u32 s1, $0x4  }
.Ltmp0:
0x5: {  	s1 =	stileid.u32;
	s5 =	sand.u32 $0x10, s5;
	(pc) =	sbr.rel .LBB2_1-.Ltmp0, $4  }
0x6: {  	s10 =	simm.s32 $0x0;
	s3 =	sadd.s32 $0x2A0000, s2;
	s6 =	sor.u32 s1, s5  }
0x7: {  	[sflag:s4] =	ssyncpa.u1 $0x0;
	s5 =	simm.s32 $0x2;
	s6 =	sshll.u32 s6, $0x7  }
0x8: {  	s7 =	sadd.s32 $0x200, s2;
	[sflag:s5] =	ssyncpa.u1 $0x0;
	s8 =	sadd.s32 $0x80, s6  }
0x9: {  	vm0 =	vmmov $0xff;
	vm1 =	vcmask $0x3F20;
	[sflag:s9] =	ssyncpa.u1 $0x0;
	s9 =	simm.s32 $0x80;
	s11 =	smov.u32 s6  }
.LBB2_9:
0xa: {  	p0 =	seq.s32 s10, $0x2  }
.Ltmp1:
0xb: {  	_ = 	snop;
	(pc) =	sbr.rel @p0 .LBB2_11-.Ltmp1, $1  }
0xc: {  	_ =	sdelay $0x3  }
.LBB2_10:
0xd: {  	s12 =	sadd.s32 $0x80, s11  }
0xe: {  	s13 =	smov.u32 s6;
	p0 =	slt.s32 s12, s8  }
0xf: {  	s13 =	smov.u32 @p0 s12  }
0x10: {  	s10 =	sadd.s32 $0x1, s10;
	s12 =	smov.u32 s11;
	s11 =	smov.u32 s13  }
.LBB2_1:
0x11: {  	p0 =	sne.s32 s10, $0x0  }
.Ltmp2:
0x12: {  	_ = 	snop;
	(pc) =	sbr.rel @!p0 .LBB2_2-.Ltmp2, $1  }
0x13: {  	_ =	sdelay $0x3  }
0x14: {  	s13 =	sand.u32 $0x1, s10  }
0x15: {  	p0 =	seq.s32 s13, $0x0  }
.Ltmp3:
0x16: {  	_ = 	snop;
	(pc) =	sbr.rel @p0 .LBB2_9-.Ltmp3, $1  }
0x17: {  	_ =	sdelay $0x3  }
0x18: {  	_ =	swait.ge [sflag:s5], $0x80  }
0x19: {  	[sflag:s5] =	ssyncset.done $0x0  }
0x1a: {  	s13 =	simm.s32 $0x0;
	[sflag:s5] =	ssyncadd.s32 $0xFFFFFF80  }
0x1b: {  	v0 =	vld.msk [tilespmem:s13+$0x80 ss:$0x1], $0xffff;
	_ =	sdelay $0x4  }
0x1c: {  	v1 =	vand.u32 $0xF, v0;
	v2 =	vshll.u32 v0, $0x3  }
0x1d: {  	vm2 =	veq.s32 v0, $0x80000000;
	v0 =	vmul.u32 $0xA8000, v1;
	v1 =	vand.u32 $0xFFF80, v2  }
0x1e: {  	v1 =	vsel vm2, $0xFFFFFF80, v1  }
0x1f: {  	v0 =	vsel vm2, $0xFFF58000, v0;
	v2 =	vand.u32 $0xFFFFFC00, v1  }
0x20: {  	v1 =	vand.u32 $0x380, v1;
	v0 =	vadd.s32 v0, v2  }
0x21: {  	v0 =	vor.u32 v1, v0  }
0x22: {  	v0 =	vshrl.u32 v0, $0x3;
	_ =	sdelay $0x3  }
0x23: {  	s13 =	simm.s32 $0x4100  }
0x24: {  	[tilespmem:s13], [sflag:$0x1] =	stream.indirect_vreg.gather [hbm:s3], $0x80, v0, vm0, $0x38;
	[tilespmem:$0x8100] =	vst v63  }
0x25: {  	s14 =	simm.s32 $0x4500;
	s31 =	simm.s32 $0x10  }
0x26: {  	[tilespmem:s14], [sflag:$0x1] =	stream.indirect_vreg.gather [hbm:s3], $0x80, v0, vm1, $0x38;
	[tilespmem:$0x8100] =	vst v63  }
0x27: {  	s14 =	simm.s32 $0x80;
	v0 =	vld.msk [tilespmem:s31+$0x80 ss:$0x1], $0xffff  }
.LBB2_5:
0x28: {  	p0 =	sne.s32 s14, $0x1C0;
	_ =	sdelay $0x4  }
0x29: {  	v1 =	vand.u32 $0xF, v0;
	v2 =	vshll.u32 v0, $0x3  }
0x2a: {  	vm2 =	veq.s32 v0, $0x80000000;
	v0 =	vmul.u32 $0xA8000, v1;
	v1 =	vand.u32 $0xFFF80, v2  }
0x2b: {  	v1 =	vsel vm2, $0xFFFFFF80, v1  }
0x2c: {  	v0 =	vsel vm2, $0xFFF58000, v0;
	v2 =	vand.u32 $0xFFFFFC00, v1  }
0x2d: {  	v1 =	vand.u32 $0x380, v1;
	v0 =	vadd.s32 v0, v2  }
0x2e: {  	v0 =	vor.u32 v1, v0  }
0x2f: {  	v0 =	vshrl.u32 v0, $0x3;
	_ =	sdelay $0x3  }
.Ltmp4:
0x30: {  	s13 =	sadd.s32 $0x800, s13;
	(pc) =	sbr.rel @p0 .LBB2_5-.Ltmp4, $4  }
0x31: {  	[tilespmem:s13], [sflag:$0x1] =	stream.indirect_vreg.gather [hbm:s3], $0x80, v0, vm0, $0x38;
	[tilespmem:$0x8100] =	vst v63  }
0x32: {  	s15 =	sshra.s32 s14, $0x2;
	s16 =	sadd.s32 $0x400, s13  }
0x33: {  	[tilespmem:s16], [sflag:$0x1] =	stream.indirect_vreg.gather [hbm:s3], $0x80, v0, vm1, $0x38;
	[tilespmem:$0x8100] =	vst v63  }
0x34: {  	s14 =	sadd.s32 $0x40, s14;
	v0 =	vld.msk [tilespmem:s15+$0x80 ss:$0x1], $0xffff  }
0x35: {  	_ =	sdelay $0x3  }
0x36: {  	v1 =	vand.u32 $0xF, v0;
	v2 =	vshll.u32 v0, $0x3  }
0x37: {  	vm2 =	veq.s32 v0, $0x80000000;
	v61 =	vmul.u32 $0xA8000, v1;
	v62 =	vand.u32 $0xFFF80, v2  }
0x38: {  	v1 =	vsel vm2, $0xFFFFFF80, v62  }
0x39: {  	v0 =	vsel vm2, $0xFFF58000, v61;
	v63 =	vand.u32 $0xFFFFFC00, v1  }
0x3a: {  	v1 =	vand.u32 $0x380, v1;
	v0 =	vadd.s32 v0, v63  }
0x3b: {  	v0 =	vor.u32 v1, v0  }
0x3c: {  	v0 =	vshrl.u32 v0, $0x3;
	_ =	sdelay $0x3  }
0x3d: {  	s13 =	sadd.s32 $0x800, s13  }
0x3e: {  	[tilespmem:s13], [sflag:$0x1] =	stream.indirect_vreg.gather [hbm:s3], $0x80, v0, vm0, $0x38;
	[tilespmem:$0x8100] =	vst v63  }
0x3f: {  	s13 =	sadd.s32 $0x400, s13  }
0x40: {  	[tilespmem:s13], [sflag:$0x1] =	stream.indirect_vreg.gather [hbm:s3], $0x80, v0, vm1, $0x38;
	[tilespmem:$0x8100] =	vst v63  }
0x41: {  	s12 =	sshll.u32 s12, $0x4;
	s14 =	simm.s32 $0x80;
	_ =	swait.ge [sflag:s4], $0x4000  }
0x42: {  	s15 =	simm.s32 $0x4500;
	s12 =	sadd.s32 s12, s7;
	[sflag:s4] =	ssyncset.done $0x0  }
0x43: {  	s16 =	sadd.s32 $0x0, s12;
	s13 =	simm.s32 $0x4100;
	[sflag:s4] =	ssyncadd.s32 $0xFFFFC000  }
.LBB2_7:
0x44: {  	[hbm:s16] =	stream.linear.scatter [tilespmem:s13], [sflag:$0x3], $0x400, $0x38;
	[tilespmem:$0x8100] =	vst v63  }
0x45: {  	s16 =	smov.u32 s14;
	s13 =	smov.u32 s15;
	p0 =	sne.s32 s14, $0x780  }
.Ltmp5:
0x46: {  	s14 =	sadd.s32 $0x80, s14;
	(pc) =	sbr.rel @p0 .LBB2_7-.Ltmp5, $2  }
0x47: {  	_ =	sdelay $0x2  }
0x48: {  	s15 =	sadd.s32 $0x400, s15;
	s16 =	sadd.s32 s16, s12  }
.Ltmp6:
0x49: {  	(pc) =	sbr.rel .LBB2_9-.Ltmp6, $2  }
0x4a: {  	_ =	sdelay $0x2  }
0x4b: {  	[hbm:s16] =	stream.linear.scatter [tilespmem:s13], [sflag:$0x3], $0x400, $0x38;
	[tilespmem:$0x8100] =	vst v63  }
.LBB2_2:
.Ltmp7:
0x4c: {  	(pc) =	sbr.rel .LBB2_10-.Ltmp7, $4  }
0x4d: {  	_ = 	snop  }
0x4e: {  	s12 =	sshrl.u32 s11, $0x3  }
0x4f: {  	s13 =	sand.u32 $0x7, s11;
	s12 =	sadd.s32 s2, s12  }
0x50: {  	[tilespmem:s9], [sflag:$0x2] =	stream.linear.gather [hbm4b:s12+s13], $0x80, $0x38;
	[tilespmem:$0x8100] =	vst v63  }
.LBB2_11:
0x51: {  	s2 =	simm.s32 $0x3  }
0x52: {  	_ =	swait.ge [sflag:s2], $0x4000  }
0x53: {  	[sflag:s2] =	ssyncset.done $0x0  }
0x54: {  	[sflag:s2] =	ssyncadd.s32 $0xFFFFC000  }
0x55: {  	_ =	sfence.sel $0x180000  }
0x56: {  	s3 =	simm.s32 $0x2;
	[bflag:$0x0] =	sbarrier.arrive $0xFFFF  }
0x57: {  	[sflag:s3] =	ssyncpa.u1 $0x1  }
0x58: {  	s31 =	simm.s32 $0x1;
	[sflag:s2] =	ssyncpa.u1 $0x1  }
0x59: {  	[sflag:s31] =	ssyncpa.u1 $0x1  }
0x5a: {  	p0 =	sne.s32 s1, $0x0;
	_ =	strace $0x90000047  }
0x5b: {  	s0 =	sadd.s32 @!p0 $0x100000, s0;
	[bflag:$0x2] =	sbarrier.arrive $0xFFFF  }
0x5c: {  	[sflag:s0] =	ssyncadd.tile.s32 @!p0 $0x1;
	_ =	shalt  }
.Lfunc_end2:
_tile_overlayer_lowered:
.L_overlay_start_2:
0x5d: {  	(tag) =	ssettag $0x2  }
0x5e: {  	s0 =	rddreg [dreg:$0x0];
	s2 =	stileid.u32  }
0x5f: {  	s1 =	rddreg [dreg:$0x1];
	p0 =	sne.s32 s2, $0x0  }
0x60: {  	s3 =	rddreg [dreg:$0x2];
	[bflag:$0x3] =	sbarrier.arrive $0xFFFF;
	s2 =	simm.s32 @!p0 $0x1C01  }
0x61: {  	[timem:s3], [sflag:s2] =	dma.local @!p0 [hbm:s0], s1  }
0x62: {  	s0 =	simm.s32 @!p0 $0x1  }
0x63: {  	_ =	swait.ge @!p0 [sflag:s0], s1  }
0x64: {  	s1 =	ssub.s32 @!p0 $0x0, s1;
	[sflag:s0] =	ssyncset.done @!p0 $0x0  }
0x65: {  	[sflag:s0] =	ssyncadd.s32 @!p0 s1  }
0x66: {  	[bflag:$0x3] =	sbarrier.arrive $0xFFFF  }
0x67: {  	_ =	shalt  }

</sc_bundles>
